<compile_context>
chip_gen: v7x
topology: tpu7x:2x2x1
jax: 0.10.2.dev20260603
libtpu: 0.0.44.dev20260713+nightly
codegen_flags: <defaults>
</compile_context>

<pallas_src>
import jax
import jax.numpy as jnp
from jax import lax
from jax.experimental import pallas as pl
from jax.experimental.pallas import tpu as pltpu
from jax.experimental.pallas import tpu_sc as plsc

NUM_CLASSES = 256
GRID = 64
N = GRID * GRID * GRID
NUM_CORES = 2
NUM_SUBCORES = 16
NUM_WORKERS = NUM_CORES * NUM_SUBCORES
LANES = 16

PER_WORKER = N // NUM_WORKERS
CHUNK = 64
STEPS = PER_WORKER // CHUNK
NBUF = 4


def _scatter_pass(vox_all, tile_v, base, value16, iota16):
    for k in range(CHUNK // LANES):
        vox16 = vox_all[pl.ds(base + k * LANES, LANES)]
        rows = iota16 + (k * LANES)
        plsc.store_scatter(tile_v, [rows, vox16], value16)


def _onehot_body(vox_hbm, out_hbm, vox_all, tile0, tile1, tile2, tile3,
                 sem0, sem1, sem2, sem3, vsem):
    cid = lax.axis_index("c")
    sid = lax.axis_index("s")
    wid = sid * NUM_CORES + cid
    row_base = wid * PER_WORKER

    tile_bufs = (tile0, tile1, tile2, tile3)
    sems = (sem0, sem1, sem2, sem3)

    zeros16 = jnp.zeros((LANES,), jnp.float32)
    ones16 = jnp.full((LANES,), 1.0, jnp.float32)
    iota16 = lax.iota(jnp.int32, LANES)

    vox_copy = pltpu.async_copy(
        vox_hbm.at[pl.ds(row_base, PER_WORKER)], vox_all, vsem
    )

    def _zero_tile(tile_v):
        def _row(r, _):
            def _seg(k, _):
                tile_v[r, pl.ds(k * LANES, LANES)] = zeros16
                return 0

            lax.fori_loop(0, NUM_CLASSES // LANES, _seg, 0)
            return 0

        lax.fori_loop(0, CHUNK, _row, 0)

    for b in range(NBUF):
        _zero_tile(tile_bufs[b])
    vox_copy.wait()

    def _out_slice(j):
        off = pl.multiple_of(row_base + j * CHUNK, CHUNK)
        return out_hbm.at[pl.ds(off, CHUNK), :]

    for b in range(NBUF):
        _scatter_pass(vox_all, tile_bufs[b], b * CHUNK, ones16, iota16)
        pltpu.async_copy(tile_bufs[b], _out_slice(b), sems[b])

    def _round(t, _):
        for b in range(NBUF):
            j = t * NBUF + b
            pltpu.make_async_copy(tile_bufs[b], _out_slice(j - NBUF), sems[b]).wait()
            _scatter_pass(vox_all, tile_bufs[b], (j - NBUF) * CHUNK, zeros16, iota16)
            _scatter_pass(vox_all, tile_bufs[b], j * CHUNK, ones16, iota16)
            pltpu.async_copy(tile_bufs[b], _out_slice(j), sems[b])
        return 0

    lax.fori_loop(1, STEPS // NBUF, _round, 0)

    for b in range(NBUF):
        pltpu.make_async_copy(tile_bufs[b], _out_slice(STEPS - NBUF + b), sems[b]).wait()


def kernel(voxels):
    vox = voxels.reshape(N).astype(jnp.int32)
    mesh = plsc.VectorSubcoreMesh(
        core_axis_name="c",
        subcore_axis_name="s",
        num_cores=NUM_CORES,
        num_subcores=NUM_SUBCORES,
    )
    out = pl.kernel(
        _onehot_body,
        out_type=jax.ShapeDtypeStruct((N, NUM_CLASSES), jnp.float32),
        mesh=mesh,
        scratch_types=[
            pltpu.VMEM((PER_WORKER,), jnp.int32),
            pltpu.VMEM((CHUNK, NUM_CLASSES), jnp.float32),
            pltpu.VMEM((CHUNK, NUM_CLASSES), jnp.float32),
            pltpu.VMEM((CHUNK, NUM_CLASSES), jnp.float32),
            pltpu.VMEM((CHUNK, NUM_CLASSES), jnp.float32),
            pltpu.SemaphoreType.DMA,
            pltpu.SemaphoreType.DMA,
            pltpu.SemaphoreType.DMA,
            pltpu.SemaphoreType.DMA,
            pltpu.SemaphoreType.DMA,
        ],
        compiler_params=pltpu.CompilerParams(
            use_tc_tiling_on_sc=True,
            needs_layout_passes=False,
        ),
    )(vox)
    onehot = out.reshape(GRID, GRID, GRID, NUM_CLASSES)
    return jnp.transpose(onehot, (3, 0, 1, 2))

# --- scband reference (transcript-rebuilt; emitter-appended) ---
"""Pipeline reference for scband-one-hot-voxel-transform-38250978738412 (READ-ONLY COPY).

The authoritative reference and input builder live on the scoring server;
editing this copy changes nothing except your own understanding.
"""

import jax, jax.numpy as jnp
import numpy as np

NUM_CLASSES = 256

def setup_inputs(seed: int = 0) -> dict:
    key = jax.random.key(seed)
    voxels = jax.random.randint(key, (64, 64, 64), 0, NUM_CLASSES, dtype=jnp.int64 if jax.config.jax_enable_x64 else jnp.int32)
    return {"voxels": voxels}

def reference(voxels) -> jnp.ndarray:
    # one_hot over last axis -> (D, H, W, C)
    onehot = jax.nn.one_hot(voxels, NUM_CLASSES, dtype=jnp.float32)
    # permute (3, 0, 1, 2) -> (C, D, H, W)
    onehot = jnp.transpose(onehot, (3, 0, 1, 2))
    return onehot

if __name__ == "__main__":
    import jax
    _d = setup_inputs()
    print(jax.jit(kernel)(*tuple(_d.values())))

</pallas_src>

<mosaic_0001>
#map = affine_map<(d0, d1) -> (0)>
#map1 = affine_map<(d0, d1) -> (0, 0)>
module attributes {stable_mosaic.version = 14 : i64} {
  func.func @_onehot_body(%arg0: i32, %arg1: i32, %arg2: memref<262144xi32, #tpu.memory_space<hbm>>, %arg3: memref<262144x256xf32, #tpu.memory_space<hbm>>, %arg4: memref<8192xi32, #tpu.memory_space<vmem>>, %arg5: memref<64x256xf32, #tpu.memory_space<vmem>>, %arg6: memref<64x256xf32, #tpu.memory_space<vmem>>, %arg7: memref<64x256xf32, #tpu.memory_space<vmem>>, %arg8: memref<64x256xf32, #tpu.memory_space<vmem>>, %arg9: memref<!tpu.dma_semaphore, #tpu.memory_space<semaphore_mem>>, %arg10: memref<!tpu.dma_semaphore, #tpu.memory_space<semaphore_mem>>, %arg11: memref<!tpu.dma_semaphore, #tpu.memory_space<semaphore_mem>>, %arg12: memref<!tpu.dma_semaphore, #tpu.memory_space<semaphore_mem>>, %arg13: memref<!tpu.dma_semaphore, #tpu.memory_space<semaphore_mem>>) attributes {dimension_semantics = [#tpu.dimension_semantics<core_parallel>, #tpu.dimension_semantics<subcore_parallel>], iteration_bounds = array<i64: 2, 16>, scalar_prefetch = 0 : i64, scratch_operands = 10 : i64, tpu.core_type = #tpu.core_type<sc_vector_subcore>, window_params = [{transform_indices = #map}, {transform_indices = #map1}]} {
    %mul3A = arith.constant 2 : i32
    %mul3A_0 = arith.muli %arg1, %mul3A : i32
    %add3A = arith.addi %mul3A_0, %arg0 : i32
    %mul3A_1 = arith.constant 8192 : i32
    %mul3A_2 = arith.muli %add3A, %mul3A_1 : i32
    %broadcast_in_dim3A = arith.constant 0.000000e+00 : f32
    %broadcast_in_dim3A_3 = vector.broadcast %broadcast_in_dim3A : f32 to vector<16xf32>
    %broadcast_in_dim3A_4 = arith.constant 1.000000e+00 : f32
    %broadcast_in_dim3A_5 = vector.broadcast %broadcast_in_dim3A_4 : f32 to vector<16xf32>
    %iota3A = tpu.iota {dimensions = array<i32: 0>} : vector<16xi32>
    %dma_start3A = tpu.memref_slice %arg2[%mul3A_2] : memref<262144xi32, #tpu.memory_space<hbm>> -> memref<8192xi32, #tpu.memory_space<hbm>>
    %dma_start3A_6 = tpu.memref_slice %arg2[%mul3A_2] : memref<262144xi32, #tpu.memory_space<hbm>> -> memref<8192xi32, #tpu.memory_space<hbm>>
    tpu.enqueue_dma source(%dma_start3A_6 : memref<8192xi32, #tpu.memory_space<hbm>>) target(%arg4 : memref<8192xi32, #tpu.memory_space<vmem>>) target_semaphore(%arg13 : memref<!tpu.dma_semaphore, #tpu.memory_space<semaphore_mem>>)
    %scan3A = arith.constant 0 : i32
    %scan3A_7 = arith.constant 0 : i32
    %scan3A_8 = arith.constant 64 : i32
    %scan3A_9 = arith.addi %scan3A_7, %scan3A_8 : i32
    %scan3A_10 = arith.constant 1 : i32
    %scan3A_11 = scf.for %scan3A_176 = %scan3A_7 to %scan3A_9 step %scan3A_10 iter_args(%scan3A_177 = %scan3A) -> (i32)  : i32 {
      %scan3A_178 = arith.constant 0 : i32
      %scan3A_179 = arith.constant 0 : i32
      %scan3A_180 = arith.constant 16 : i32
      %scan3A_181 = arith.addi %scan3A_179, %scan3A_180 : i32
      %scan3A_182 = arith.constant 1 : i32
      %scan3A_183 = scf.for %scan3A_186 = %scan3A_179 to %scan3A_181 step %scan3A_182 iter_args(%scan3A_187 = %scan3A_178) -> (i32)  : i32 {
        %mul3A_188 = arith.constant 16 : i32
        %mul3A_189 = arith.muli %scan3A_186, %mul3A_188 : i32
        %swap3A = arith.index_cast %scan3A_176 : i32 to index
        %swap3A_190 = arith.index_cast %mul3A_189 : i32 to index
        %swap3A_191 = tpu.vector_load %arg5[%swap3A, %swap3A_190] {strides = array<i32>} : memref<64x256xf32, #tpu.memory_space<vmem>>, vector<16xf32>,
        tpu.vector_store %arg5[%swap3A, %swap3A_190], %broadcast_in_dim3A_3 {strides = array<i32>} : memref<64x256xf32, #tpu.memory_space<vmem>>, vector<16xf32>,
        %scan3A_192 = arith.constant 0 : i32
        scf.yield %scan3A_192 : i32
      }
      %scan3A_184 = arith.constant 16 : i32
      %scan3A_185 = arith.constant 0 : i32
      scf.yield %scan3A_185 : i32
    }
    %scan3A_12 = arith.constant 64 : i32
    %scan3A_13 = arith.constant 0 : i32
    %scan3A_14 = arith.constant 0 : i32
    %scan3A_15 = arith.constant 64 : i32
    %scan3A_16 = arith.addi %scan3A_14, %scan3A_15 : i32
    %scan3A_17 = arith.constant 1 : i32
    %scan3A_18 = scf.for %scan3A_176 = %scan3A_14 to %scan3A_16 step %scan3A_17 iter_args(%scan3A_177 = %scan3A_13) -> (i32)  : i32 {
      %scan3A_178 = arith.constant 0 : i32
      %scan3A_179 = arith.constant 0 : i32
      %scan3A_180 = arith.constant 16 : i32
      %scan3A_181 = arith.addi %scan3A_179, %scan3A_180 : i32
      %scan3A_182 = arith.constant 1 : i32
      %scan3A_183 = scf.for %scan3A_186 = %scan3A_179 to %scan3A_181 step %scan3A_182 iter_args(%scan3A_187 = %scan3A_178) -> (i32)  : i32 {
        %mul3A_188 = arith.constant 16 : i32
        %mul3A_189 = arith.muli %scan3A_186, %mul3A_188 : i32
        %swap3A = arith.index_cast %scan3A_176 : i32 to index
        %swap3A_190 = arith.index_cast %mul3A_189 : i32 to index
        %swap3A_191 = tpu.vector_load %arg6[%swap3A, %swap3A_190] {strides = array<i32>} : memref<64x256xf32, #tpu.memory_space<vmem>>, vector<16xf32>,
        tpu.vector_store %arg6[%swap3A, %swap3A_190], %broadcast_in_dim3A_3 {strides = array<i32>} : memref<64x256xf32, #tpu.memory_space<vmem>>, vector<16xf32>,
        %scan3A_192 = arith.constant 0 : i32
        scf.yield %scan3A_192 : i32
      }
      %scan3A_184 = arith.constant 16 : i32
      %scan3A_185 = arith.constant 0 : i32
      scf.yield %scan3A_185 : i32
    }
    %scan3A_19 = arith.constant 64 : i32
    %scan3A_20 = arith.constant 0 : i32
    %scan3A_21 = arith.constant 0 : i32
    %scan3A_22 = arith.constant 64 : i32
    %scan3A_23 = arith.addi %scan3A_21, %scan3A_22 : i32
    %scan3A_24 = arith.constant 1 : i32
    %scan3A_25 = scf.for %scan3A_176 = %scan3A_21 to %scan3A_23 step %scan3A_24 iter_args(%scan3A_177 = %scan3A_20) -> (i32)  : i32 {
      %scan3A_178 = arith.constant 0 : i32
      %scan3A_179 = arith.constant 0 : i32
      %scan3A_180 = arith.constant 16 : i32
      %scan3A_181 = arith.addi %scan3A_179, %scan3A_180 : i32
      %scan3A_182 = arith.constant 1 : i32
      %scan3A_183 = scf.for %scan3A_186 = %scan3A_179 to %scan3A_181 step %scan3A_182 iter_args(%scan3A_187 = %scan3A_178) -> (i32)  : i32 {
        %mul3A_188 = arith.constant 16 : i32
        %mul3A_189 = arith.muli %scan3A_186, %mul3A_188 : i32
        %swap3A = arith.index_cast %scan3A_176 : i32 to index
        %swap3A_190 = arith.index_cast %mul3A_189 : i32 to index
        %swap3A_191 = tpu.vector_load %arg7[%swap3A, %swap3A_190] {strides = array<i32>} : memref<64x256xf32, #tpu.memory_space<vmem>>, vector<16xf32>,
        tpu.vector_store %arg7[%swap3A, %swap3A_190], %broadcast_in_dim3A_3 {strides = array<i32>} : memref<64x256xf32, #tpu.memory_space<vmem>>, vector<16xf32>,
        %scan3A_192 = arith.constant 0 : i32
        scf.yield %scan3A_192 : i32
      }
      %scan3A_184 = arith.constant 16 : i32
      %scan3A_185 = arith.constant 0 : i32
      scf.yield %scan3A_185 : i32
    }
    %scan3A_26 = arith.constant 64 : i32
    %scan3A_27 = arith.constant 0 : i32
    %scan3A_28 = arith.constant 0 : i32
    %scan3A_29 = arith.constant 64 : i32
    %scan3A_30 = arith.addi %scan3A_28, %scan3A_29 : i32
    %scan3A_31 = arith.constant 1 : i32
    %scan3A_32 = scf.for %scan3A_176 = %scan3A_28 to %scan3A_30 step %scan3A_31 iter_args(%scan3A_177 = %scan3A_27) -> (i32)  : i32 {
      %scan3A_178 = arith.constant 0 : i32
      %scan3A_179 = arith.constant 0 : i32
      %scan3A_180 = arith.constant 16 : i32
      %scan3A_181 = arith.addi %scan3A_179, %scan3A_180 : i32
      %scan3A_182 = arith.constant 1 : i32
      %scan3A_183 = scf.for %scan3A_186 = %scan3A_179 to %scan3A_181 step %scan3A_182 iter_args(%scan3A_187 = %scan3A_178) -> (i32)  : i32 {
        %mul3A_188 = arith.constant 16 : i32
        %mul3A_189 = arith.muli %scan3A_186, %mul3A_188 : i32
        %swap3A = arith.index_cast %scan3A_176 : i32 to index
        %swap3A_190 = arith.index_cast %mul3A_189 : i32 to index
        %swap3A_191 = tpu.vector_load %arg8[%swap3A, %swap3A_190] {strides = array<i32>} : memref<64x256xf32, #tpu.memory_space<vmem>>, vector<16xf32>,
        tpu.vector_store %arg8[%swap3A, %swap3A_190], %broadcast_in_dim3A_3 {strides = array<i32>} : memref<64x256xf32, #tpu.memory_space<vmem>>, vector<16xf32>,
        %scan3A_192 = arith.constant 0 : i32
        scf.yield %scan3A_192 : i32
      }
      %scan3A_184 = arith.constant 16 : i32
      %scan3A_185 = arith.constant 0 : i32
      scf.yield %scan3A_185 : i32
    }
    %scan3A_33 = arith.constant 64 : i32
    %dma_wait3A = tpu.memref_slice %arg2[%mul3A_2] : memref<262144xi32, #tpu.memory_space<hbm>> -> memref<8192xi32, #tpu.memory_space<hbm>>
    %dma_wait3A_34 = tpu.memref_slice %arg2[%mul3A_2] : memref<262144xi32, #tpu.memory_space<hbm>> -> memref<8192xi32, #tpu.memory_space<hbm>>
    tpu.wait_dma2 semaphore(%arg13 : memref<!tpu.dma_semaphore, #tpu.memory_space<semaphore_mem>>) src(%dma_wait3A_34 : memref<8192xi32, #tpu.memory_space<hbm>>) dst(%arg4 : memref<8192xi32, #tpu.memory_space<vmem>>)
    %get3A = arith.constant 0 : index
    %get3A_35 = tpu.vector_load %arg4[%get3A] {strides = array<i32>} : memref<8192xi32, #tpu.memory_space<vmem>>, vector<16xi32>,
    %add3A_36 = arith.constant 0 : i32
    %add3A_37 = vector.broadcast %add3A_36 : i32 to vector<16xi32>
    %add3A_38 = arith.addi %iota3A, %add3A_37 : vector<16xi32>
    tpu.vector_store_idx %arg5[%add3A_38, %get3A_35], %broadcast_in_dim3A_5 : memref<64x256xf32, #tpu.memory_space<vmem>>[vector<16xi32>, vector<16xi32>], vector<16xf32>,
    %get3A_39 = arith.constant 16 : index
    %get3A_40 = tpu.vector_load %arg4[%get3A_39] {strides = array<i32>} : memref<8192xi32, #tpu.memory_space<vmem>>, vector<16xi32>,
    %add3A_41 = arith.constant 16 : i32
    %add3A_42 = vector.broadcast %add3A_41 : i32 to vector<16xi32>
    %add3A_43 = arith.addi %iota3A, %add3A_42 : vector<16xi32>
    tpu.vector_store_idx %arg5[%add3A_43, %get3A_40], %broadcast_in_dim3A_5 : memref<64x256xf32, #tpu.memory_space<vmem>>[vector<16xi32>, vector<16xi32>], vector<16xf32>,
    %get3A_44 = arith.constant 32 : index
    %get3A_45 = tpu.vector_load %arg4[%get3A_44] {strides = array<i32>} : memref<8192xi32, #tpu.memory_space<vmem>>, vector<16xi32>,
    %add3A_46 = arith.constant 32 : i32
    %add3A_47 = vector.broadcast %add3A_46 : i32 to vector<16xi32>
    %add3A_48 = arith.addi %iota3A, %add3A_47 : vector<16xi32>
    tpu.vector_store_idx %arg5[%add3A_48, %get3A_45], %broadcast_in_dim3A_5 : memref<64x256xf32, #tpu.memory_space<vmem>>[vector<16xi32>, vector<16xi32>], vector<16xf32>,
    %get3A_49 = arith.constant 48 : index
    %get3A_50 = tpu.vector_load %arg4[%get3A_49] {strides = array<i32>} : memref<8192xi32, #tpu.memory_space<vmem>>, vector<16xi32>,
    %add3A_51 = arith.constant 48 : i32
    %add3A_52 = vector.broadcast %add3A_51 : i32 to vector<16xi32>
    %add3A_53 = arith.addi %iota3A, %add3A_52 : vector<16xi32>
    tpu.vector_store_idx %arg5[%add3A_53, %get3A_50], %broadcast_in_dim3A_5 : memref<64x256xf32, #tpu.memory_space<vmem>>[vector<16xi32>, vector<16xi32>], vector<16xf32>,
    %add3A_54 = arith.constant 0 : i32
    %add3A_55 = arith.addi %mul3A_2, %add3A_54 : i32
    %multiple_of3A = tpu.assume_multiple %add3A_55, 64 : i32
    %dma_start3A_56 = arith.constant 0 : i32
    %dma_start3A_57 = tpu.memref_slice %arg3[%multiple_of3A, %dma_start3A_56] : memref<262144x256xf32, #tpu.memory_space<hbm>> -> memref<64x256xf32, #tpu.memory_space<hbm>>
    %dma_start3A_58 = arith.constant 0 : i32
    %dma_start3A_59 = tpu.memref_slice %arg3[%multiple_of3A, %dma_start3A_58] : memref<262144x256xf32, #tpu.memory_space<hbm>> -> memref<64x256xf32, #tpu.memory_space<hbm>>
    tpu.enqueue_dma source(%arg5 : memref<64x256xf32, #tpu.memory_space<vmem>>) target(%dma_start3A_59 : memref<64x256xf32, #tpu.memory_space<hbm>>) target_semaphore(%arg9 : memref<!tpu.dma_semaphore, #tpu.memory_space<semaphore_mem>>)
    %get3A_60 = arith.constant 64 : index
    %get3A_61 = tpu.vector_load %arg4[%get3A_60] {strides = array<i32>} : memref<8192xi32, #tpu.memory_space<vmem>>, vector<16xi32>,
    %add3A_62 = arith.constant 0 : i32
    %add3A_63 = vector.broadcast %add3A_62 : i32 to vector<16xi32>
    %add3A_64 = arith.addi %iota3A, %add3A_63 : vector<16xi32>
    tpu.vector_store_idx %arg6[%add3A_64, %get3A_61], %broadcast_in_dim3A_5 : memref<64x256xf32, #tpu.memory_space<vmem>>[vector<16xi32>, vector<16xi32>], vector<16xf32>,
    %get3A_65 = arith.constant 80 : index
    %get3A_66 = tpu.vector_load %arg4[%get3A_65] {strides = array<i32>} : memref<8192xi32, #tpu.memory_space<vmem>>, vector<16xi32>,
    %add3A_67 = arith.constant 16 : i32
    %add3A_68 = vector.broadcast %add3A_67 : i32 to vector<16xi32>
    %add3A_69 = arith.addi %iota3A, %add3A_68 : vector<16xi32>
    tpu.vector_store_idx %arg6[%add3A_69, %get3A_66], %broadcast_in_dim3A_5 : memref<64x256xf32, #tpu.memory_space<vmem>>[vector<16xi32>, vector<16xi32>], vector<16xf32>,
    %get3A_70 = arith.constant 96 : index
    %get3A_71 = tpu.vector_load %arg4[%get3A_70] {strides = array<i32>} : memref<8192xi32, #tpu.memory_space<vmem>>, vector<16xi32>,
    %add3A_72 = arith.constant 32 : i32
    %add3A_73 = vector.broadcast %add3A_72 : i32 to vector<16xi32>
    %add3A_74 = arith.addi %iota3A, %add3A_73 : vector<16xi32>
    tpu.vector_store_idx %arg6[%add3A_74, %get3A_71], %broadcast_in_dim3A_5 : memref<64x256xf32, #tpu.memory_space<vmem>>[vector<16xi32>, vector<16xi32>], vector<16xf32>,
    %get3A_75 = arith.constant 112 : index
    %get3A_76 = tpu.vector_load %arg4[%get3A_75] {strides = array<i32>} : memref<8192xi32, #tpu.memory_space<vmem>>, vector<16xi32>,
    %add3A_77 = arith.constant 48 : i32
    %add3A_78 = vector.broadcast %add3A_77 : i32 to vector<16xi32>
    %add3A_79 = arith.addi %iota3A, %add3A_78 : vector<16xi32>
    tpu.vector_store_idx %arg6[%add3A_79, %get3A_76], %broadcast_in_dim3A_5 : memref<64x256xf32, #tpu.memory_space<vmem>>[vector<16xi32>, vector<16xi32>], vector<16xf32>,
    %add3A_80 = arith.constant 64 : i32
    %add3A_81 = arith.addi %mul3A_2, %add3A_80 : i32
    %multiple_of3A_82 = tpu.assume_multiple %add3A_81, 64 : i32
    %dma_start3A_83 = arith.constant 0 : i32
    %dma_start3A_84 = tpu.memref_slice %arg3[%multiple_of3A_82, %dma_start3A_83] : memref<262144x256xf32, #tpu.memory_space<hbm>> -> memref<64x256xf32, #tpu.memory_space<hbm>>
    %dma_start3A_85 = arith.constant 0 : i32
    %dma_start3A_86 = tpu.memref_slice %arg3[%multiple_of3A_82, %dma_start3A_85] : memref<262144x256xf32, #tpu.memory_space<hbm>> -> memref<64x256xf32, #tpu.memory_space<hbm>>
    tpu.enqueue_dma source(%arg6 : memref<64x256xf32, #tpu.memory_space<vmem>>) target(%dma_start3A_86 : memref<64x256xf32, #tpu.memory_space<hbm>>) target_semaphore(%arg10 : memref<!tpu.dma_semaphore, #tpu.memory_space<semaphore_mem>>)
    %get3A_87 = arith.constant 128 : index
    %get3A_88 = tpu.vector_load %arg4[%get3A_87] {strides = array<i32>} : memref<8192xi32, #tpu.memory_space<vmem>>, vector<16xi32>,
    %add3A_89 = arith.constant 0 : i32
    %add3A_90 = vector.broadcast %add3A_89 : i32 to vector<16xi32>
    %add3A_91 = arith.addi %iota3A, %add3A_90 : vector<16xi32>
    tpu.vector_store_idx %arg7[%add3A_91, %get3A_88], %broadcast_in_dim3A_5 : memref<64x256xf32, #tpu.memory_space<vmem>>[vector<16xi32>, vector<16xi32>], vector<16xf32>,
    %get3A_92 = arith.constant 144 : index
    %get3A_93 = tpu.vector_load %arg4[%get3A_92] {strides = array<i32>} : memref<8192xi32, #tpu.memory_space<vmem>>, vector<16xi32>,
    %add3A_94 = arith.constant 16 : i32
    %add3A_95 = vector.broadcast %add3A_94 : i32 to vector<16xi32>
    %add3A_96 = arith.addi %iota3A, %add3A_95 : vector<16xi32>
    tpu.vector_store_idx %arg7[%add3A_96, %get3A_93], %broadcast_in_dim3A_5 : memref<64x256xf32, #tpu.memory_space<vmem>>[vector<16xi32>, vector<16xi32>], vector<16xf32>,
    %get3A_97 = arith.constant 160 : index
    %get3A_98 = tpu.vector_load %arg4[%get3A_97] {strides = array<i32>} : memref<8192xi32, #tpu.memory_space<vmem>>, vector<16xi32>,
    %add3A_99 = arith.constant 32 : i32
    %add3A_100 = vector.broadcast %add3A_99 : i32 to vector<16xi32>
    %add3A_101 = arith.addi %iota3A, %add3A_100 : vector<16xi32>
    tpu.vector_store_idx %arg7[%add3A_101, %get3A_98], %broadcast_in_dim3A_5 : memref<64x256xf32, #tpu.memory_space<vmem>>[vector<16xi32>, vector<16xi32>], vector<16xf32>,
    %get3A_102 = arith.constant 176 : index
    %get3A_103 = tpu.vector_load %arg4[%get3A_102] {strides = array<i32>} : memref<8192xi32, #tpu.memory_space<vmem>>, vector<16xi32>,
    %add3A_104 = arith.constant 48 : i32
    %add3A_105 = vector.broadcast %add3A_104 : i32 to vector<16xi32>
    %add3A_106 = arith.addi %iota3A, %add3A_105 : vector<16xi32>
    tpu.vector_store_idx %arg7[%add3A_106, %get3A_103], %broadcast_in_dim3A_5 : memref<64x256xf32, #tpu.memory_space<vmem>>[vector<16xi32>, vector<16xi32>], vector<16xf32>,
    %add3A_107 = arith.constant 128 : i32
    %add3A_108 = arith.addi %mul3A_2, %add3A_107 : i32
    %multiple_of3A_109 = tpu.assume_multiple %add3A_108, 64 : i32
    %dma_start3A_110 = arith.constant 0 : i32
    %dma_start3A_111 = tpu.memref_slice %arg3[%multiple_of3A_109, %dma_start3A_110] : memref<262144x256xf32, #tpu.memory_space<hbm>> -> memref<64x256xf32, #tpu.memory_space<hbm>>
    %dma_start3A_112 = arith.constant 0 : i32
    %dma_start3A_113 = tpu.memref_slice %arg3[%multiple_of3A_109, %dma_start3A_112] : memref<262144x256xf32, #tpu.memory_space<hbm>> -> memref<64x256xf32, #tpu.memory_space<hbm>>
    tpu.enqueue_dma source(%arg7 : memref<64x256xf32, #tpu.memory_space<vmem>>) target(%dma_start3A_113 : memref<64x256xf32, #tpu.memory_space<hbm>>) target_semaphore(%arg11 : memref<!tpu.dma_semaphore, #tpu.memory_space<semaphore_mem>>)
    %get3A_114 = arith.constant 192 : index
    %get3A_115 = tpu.vector_load %arg4[%get3A_114] {strides = array<i32>} : memref<8192xi32, #tpu.memory_space<vmem>>, vector<16xi32>,
    %add3A_116 = arith.constant 0 : i32
    %add3A_117 = vector.broadcast %add3A_116 : i32 to vector<16xi32>
    %add3A_118 = arith.addi %iota3A, %add3A_117 : vector<16xi32>
    tpu.vector_store_idx %arg8[%add3A_118, %get3A_115], %broadcast_in_dim3A_5 : memref<64x256xf32, #tpu.memory_space<vmem>>[vector<16xi32>, vector<16xi32>], vector<16xf32>,
    %get3A_119 = arith.constant 208 : index
    %get3A_120 = tpu.vector_load %arg4[%get3A_119] {strides = array<i32>} : memref<8192xi32, #tpu.memory_space<vmem>>, vector<16xi32>,
    %add3A_121 = arith.constant 16 : i32
    %add3A_122 = vector.broadcast %add3A_121 : i32 to vector<16xi32>
    %add3A_123 = arith.addi %iota3A, %add3A_122 : vector<16xi32>
    tpu.vector_store_idx %arg8[%add3A_123, %get3A_120], %broadcast_in_dim3A_5 : memref<64x256xf32, #tpu.memory_space<vmem>>[vector<16xi32>, vector<16xi32>], vector<16xf32>,
    %get3A_124 = arith.constant 224 : index
    %get3A_125 = tpu.vector_load %arg4[%get3A_124] {strides = array<i32>} : memref<8192xi32, #tpu.memory_space<vmem>>, vector<16xi32>,
    %add3A_126 = arith.constant 32 : i32
    %add3A_127 = vector.broadcast %add3A_126 : i32 to vector<16xi32>
    %add3A_128 = arith.addi %iota3A, %add3A_127 : vector<16xi32>
    tpu.vector_store_idx %arg8[%add3A_128, %get3A_125], %broadcast_in_dim3A_5 : memref<64x256xf32, #tpu.memory_space<vmem>>[vector<16xi32>, vector<16xi32>], vector<16xf32>,
    %get3A_129 = arith.constant 240 : index
    %get3A_130 = tpu.vector_load %arg4[%get3A_129] {strides = array<i32>} : memref<8192xi32, #tpu.memory_space<vmem>>, vector<16xi32>,
    %add3A_131 = arith.constant 48 : i32
    %add3A_132 = vector.broadcast %add3A_131 : i32 to vector<16xi32>
    %add3A_133 = arith.addi %iota3A, %add3A_132 : vector<16xi32>
    tpu.vector_store_idx %arg8[%add3A_133, %get3A_130], %broadcast_in_dim3A_5 : memref<64x256xf32, #tpu.memory_space<vmem>>[vector<16xi32>, vector<16xi32>], vector<16xf32>,
    %add3A_134 = arith.constant 192 : i32
    %add3A_135 = arith.addi %mul3A_2, %add3A_134 : i32
    %multiple_of3A_136 = tpu.assume_multiple %add3A_135, 64 : i32
    %dma_start3A_137 = arith.constant 0 : i32
    %dma_start3A_138 = tpu.memref_slice %arg3[%multiple_of3A_136, %dma_start3A_137] : memref<262144x256xf32, #tpu.memory_space<hbm>> -> memref<64x256xf32, #tpu.memory_space<hbm>>
    %dma_start3A_139 = arith.constant 0 : i32
    %dma_start3A_140 = tpu.memref_slice %arg3[%multiple_of3A_136, %dma_start3A_139] : memref<262144x256xf32, #tpu.memory_space<hbm>> -> memref<64x256xf32, #tpu.memory_space<hbm>>
    tpu.enqueue_dma source(%arg8 : memref<64x256xf32, #tpu.memory_space<vmem>>) target(%dma_start3A_140 : memref<64x256xf32, #tpu.memory_space<hbm>>) target_semaphore(%arg12 : memref<!tpu.dma_semaphore, #tpu.memory_space<semaphore_mem>>)
    %scan3A_141 = arith.constant 0 : i32
    %scan3A_142 = arith.constant 1 : i32
    %scan3A_143 = arith.constant 31 : i32
    %scan3A_144 = arith.addi %scan3A_142, %scan3A_143 : i32
    %scan3A_145 = arith.constant 1 : i32
    %scan3A_146 = scf.for %scan3A_176 = %scan3A_142 to %scan3A_144 step %scan3A_145 iter_args(%scan3A_177 = %scan3A_141) -> (i32)  : i32 {
      %mul3A_178 = arith.constant 4 : i32
      %mul3A_179 = arith.muli %scan3A_176, %mul3A_178 : i32
      %add3A_180 = arith.constant 0 : i32
      %add3A_181 = arith.addi %mul3A_179, %add3A_180 : i32
      %sub3A = arith.constant 4 : i32
      %sub3A_182 = arith.subi %add3A_181, %sub3A : i32
      %mul3A_183 = arith.constant 64 : i32
      %mul3A_184 = arith.muli %sub3A_182, %mul3A_183 : i32
      %add3A_185 = arith.addi %mul3A_2, %mul3A_184 : i32
      %multiple_of3A_186 = tpu.assume_multiple %add3A_185, 64 : i32
      %dma_wait3A_187 = arith.constant 0 : i32
      %dma_wait3A_188 = tpu.memref_slice %arg3[%multiple_of3A_186, %dma_wait3A_187] : memref<262144x256xf32, #tpu.memory_space<hbm>> -> memref<64x256xf32, #tpu.memory_space<hbm>>
      %dma_wait3A_189 = arith.constant 0 : i32
      %dma_wait3A_190 = tpu.memref_slice %arg3[%multiple_of3A_186, %dma_wait3A_189] : memref<262144x256xf32, #tpu.memory_space<hbm>> -> memref<64x256xf32, #tpu.memory_space<hbm>>
      tpu.wait_dma2 semaphore(%arg9 : memref<!tpu.dma_semaphore, #tpu.memory_space<semaphore_mem>>) src(%arg5 : memref<64x256xf32, #tpu.memory_space<vmem>>) dst(%dma_wait3A_190 : memref<64x256xf32, #tpu.memory_space<hbm>>)
      %sub3A_191 = arith.constant 4 : i32
      %sub3A_192 = arith.subi %add3A_181, %sub3A_191 : i32
      %mul3A_193 = arith.constant 64 : i32
      %mul3A_194 = arith.muli %sub3A_192, %mul3A_193 : i32
      %add3A_195 = arith.constant 0 : i32
      %add3A_196 = arith.addi %mul3A_194, %add3A_195 : i32
      %get3A_197 = arith.index_cast %add3A_196 : i32 to index
      %get3A_198 = tpu.vector_load %arg4[%get3A_197] {strides = array<i32>} : memref<8192xi32, #tpu.memory_space<vmem>>, vector<16xi32>,
      %add3A_199 = arith.constant 0 : i32
      %add3A_200 = vector.broadcast %add3A_199 : i32 to vector<16xi32>
      %add3A_201 = arith.addi %iota3A, %add3A_200 : vector<16xi32>
      tpu.vector_store_idx %arg5[%add3A_201, %get3A_198], %broadcast_in_dim3A_3 : memref<64x256xf32, #tpu.memory_space<vmem>>[vector<16xi32>, vector<16xi32>], vector<16xf32>,
      %add3A_202 = arith.constant 16 : i32
      %add3A_203 = arith.addi %mul3A_194, %add3A_202 : i32
      %get3A_204 = arith.index_cast %add3A_203 : i32 to index
      %get3A_205 = tpu.vector_load %arg4[%get3A_204] {strides = array<i32>} : memref<8192xi32, #tpu.memory_space<vmem>>, vector<16xi32>,
      %add3A_206 = arith.constant 16 : i32
      %add3A_207 = vector.broadcast %add3A_206 : i32 to vector<16xi32>
      %add3A_208 = arith.addi %iota3A, %add3A_207 : vector<16xi32>
      tpu.vector_store_idx %arg5[%add3A_208, %get3A_205], %broadcast_in_dim3A_3 : memref<64x256xf32, #tpu.memory_space<vmem>>[vector<16xi32>, vector<16xi32>], vector<16xf32>,
      %add3A_209 = arith.constant 32 : i32
      %add3A_210 = arith.addi %mul3A_194, %add3A_209 : i32
      %get3A_211 = arith.index_cast %add3A_210 : i32 to index
      %get3A_212 = tpu.vector_load %arg4[%get3A_211] {strides = array<i32>} : memref<8192xi32, #tpu.memory_space<vmem>>, vector<16xi32>,
      %add3A_213 = arith.constant 32 : i32
      %add3A_214 = vector.broadcast %add3A_213 : i32 to vector<16xi32>
      %add3A_215 = arith.addi %iota3A, %add3A_214 : vector<16xi32>
      tpu.vector_store_idx %arg5[%add3A_215, %get3A_212], %broadcast_in_dim3A_3 : memref<64x256xf32, #tpu.memory_space<vmem>>[vector<16xi32>, vector<16xi32>], vector<16xf32>,
      %add3A_216 = arith.constant 48 : i32
      %add3A_217 = arith.addi %mul3A_194, %add3A_216 : i32
      %get3A_218 = arith.index_cast %add3A_217 : i32 to index
      %get3A_219 = tpu.vector_load %arg4[%get3A_218] {strides = array<i32>} : memref<8192xi32, #tpu.memory_space<vmem>>, vector<16xi32>,
      %add3A_220 = arith.constant 48 : i32
      %add3A_221 = vector.broadcast %add3A_220 : i32 to vector<16xi32>
      %add3A_222 = arith.addi %iota3A, %add3A_221 : vector<16xi32>
      tpu.vector_store_idx %arg5[%add3A_222, %get3A_219], %broadcast_in_dim3A_3 : memref<64x256xf32, #tpu.memory_space<vmem>>[vector<16xi32>, vector<16xi32>], vector<16xf32>,
      %mul3A_223 = arith.constant 64 : i32
      %mul3A_224 = arith.muli %add3A_181, %mul3A_223 : i32
      %add3A_225 = arith.constant 0 : i32
      %add3A_226 = arith.addi %mul3A_224, %add3A_225 : i32
      %get3A_227 = arith.index_cast %add3A_226 : i32 to index
      %get3A_228 = tpu.vector_load %arg4[%get3A_227] {strides = array<i32>} : memref<8192xi32, #tpu.memory_space<vmem>>, vector<16xi32>,
      %add3A_229 = arith.constant 0 : i32
      %add3A_230 = vector.broadcast %add3A_229 : i32 to vector<16xi32>
      %add3A_231 = arith.addi %iota3A, %add3A_230 : vector<16xi32>
      tpu.vector_store_idx %arg5[%add3A_231, %get3A_228], %broadcast_in_dim3A_5 : memref<64x256xf32, #tpu.memory_space<vmem>>[vector<16xi32>, vector<16xi32>], vector<16xf32>,
      %add3A_232 = arith.constant 16 : i32
      %add3A_233 = arith.addi %mul3A_224, %add3A_232 : i32
      %get3A_234 = arith.index_cast %add3A_233 : i32 to index
      %get3A_235 = tpu.vector_load %arg4[%get3A_234] {strides = array<i32>} : memref<8192xi32, #tpu.memory_space<vmem>>, vector<16xi32>,
      %add3A_236 = arith.constant 16 : i32
      %add3A_237 = vector.broadcast %add3A_236 : i32 to vector<16xi32>
      %add3A_238 = arith.addi %iota3A, %add3A_237 : vector<16xi32>
      tpu.vector_store_idx %arg5[%add3A_238, %get3A_235], %broadcast_in_dim3A_5 : memref<64x256xf32, #tpu.memory_space<vmem>>[vector<16xi32>, vector<16xi32>], vector<16xf32>,
      %add3A_239 = arith.constant 32 : i32
      %add3A_240 = arith.addi %mul3A_224, %add3A_239 : i32
      %get3A_241 = arith.index_cast %add3A_240 : i32 to index
      %get3A_242 = tpu.vector_load %arg4[%get3A_241] {strides = array<i32>} : memref<8192xi32, #tpu.memory_space<vmem>>, vector<16xi32>,
      %add3A_243 = arith.constant 32 : i32
      %add3A_244 = vector.broadcast %add3A_243 : i32 to vector<16xi32>
      %add3A_245 = arith.addi %iota3A, %add3A_244 : vector<16xi32>
      tpu.vector_store_idx %arg5[%add3A_245, %get3A_242], %broadcast_in_dim3A_5 : memref<64x256xf32, #tpu.memory_space<vmem>>[vector<16xi32>, vector<16xi32>], vector<16xf32>,
      %add3A_246 = arith.constant 48 : i32
      %add3A_247 = arith.addi %mul3A_224, %add3A_246 : i32
      %get3A_248 = arith.index_cast %add3A_247 : i32 to index
      %get3A_249 = tpu.vector_load %arg4[%get3A_248] {strides = array<i32>} : memref<8192xi32, #tpu.memory_space<vmem>>, vector<16xi32>,
      %add3A_250 = arith.constant 48 : i32
      %add3A_251 = vector.broadcast %add3A_250 : i32 to vector<16xi32>
      %add3A_252 = arith.addi %iota3A, %add3A_251 : vector<16xi32>
      tpu.vector_store_idx %arg5[%add3A_252, %get3A_249], %broadcast_in_dim3A_5 : memref<64x256xf32, #tpu.memory_space<vmem>>[vector<16xi32>, vector<16xi32>], vector<16xf32>,
      %mul3A_253 = arith.constant 64 : i32
      %mul3A_254 = arith.muli %add3A_181, %mul3A_253 : i32
      %add3A_255 = arith.addi %mul3A_2, %mul3A_254 : i32
      %multiple_of3A_256 = tpu.assume_multiple %add3A_255, 64 : i32
      %dma_start3A_257 = arith.constant 0 : i32
      %dma_start3A_258 = tpu.memref_slice %arg3[%multiple_of3A_256, %dma_start3A_257] : memref<262144x256xf32, #tpu.memory_space<hbm>> -> memref<64x256xf32, #tpu.memory_space<hbm>>
      %dma_start3A_259 = arith.constant 0 : i32
      %dma_start3A_260 = tpu.memref_slice %arg3[%multiple_of3A_256, %dma_start3A_259] : memref<262144x256xf32, #tpu.memory_space<hbm>> -> memref<64x256xf32, #tpu.memory_space<hbm>>
      tpu.enqueue_dma source(%arg5 : memref<64x256xf32, #tpu.memory_space<vmem>>) target(%dma_start3A_260 : memref<64x256xf32, #tpu.memory_space<hbm>>) target_semaphore(%arg9 : memref<!tpu.dma_semaphore, #tpu.memory_space<semaphore_mem>>)
      %mul3A_261 = arith.constant 4 : i32
      %mul3A_262 = arith.muli %scan3A_176, %mul3A_261 : i32
      %add3A_263 = arith.constant 1 : i32
      %add3A_264 = arith.addi %mul3A_262, %add3A_263 : i32
      %sub3A_265 = arith.constant 4 : i32
      %sub3A_266 = arith.subi %add3A_264, %sub3A_265 : i32
      %mul3A_267 = arith.constant 64 : i32
      %mul3A_268 = arith.muli %sub3A_266, %mul3A_267 : i32
      %add3A_269 = arith.addi %mul3A_2, %mul3A_268 : i32
      %multiple_of3A_270 = tpu.assume_multiple %add3A_269, 64 : i32
      %dma_wait3A_271 = arith.constant 0 : i32
      %dma_wait3A_272 = tpu.memref_slice %arg3[%multiple_of3A_270, %dma_wait3A_271] : memref<262144x256xf32, #tpu.memory_space<hbm>> -> memref<64x256xf32, #tpu.memory_space<hbm>>
      %dma_wait3A_273 = arith.constant 0 : i32
      %dma_wait3A_274 = tpu.memref_slice %arg3[%multiple_of3A_270, %dma_wait3A_273] : memref<262144x256xf32, #tpu.memory_space<hbm>> -> memref<64x256xf32, #tpu.memory_space<hbm>>
      tpu.wait_dma2 semaphore(%arg10 : memref<!tpu.dma_semaphore, #tpu.memory_space<semaphore_mem>>) src(%arg6 : memref<64x256xf32, #tpu.memory_space<vmem>>) dst(%dma_wait3A_274 : memref<64x256xf32, #tpu.memory_space<hbm>>)
      %sub3A_275 = arith.constant 4 : i32
      %sub3A_276 = arith.subi %add3A_264, %sub3A_275 : i32
      %mul3A_277 = arith.constant 64 : i32
      %mul3A_278 = arith.muli %sub3A_276, %mul3A_277 : i32
      %add3A_279 = arith.constant 0 : i32
      %add3A_280 = arith.addi %mul3A_278, %add3A_279 : i32
      %get3A_281 = arith.index_cast %add3A_280 : i32 to index
      %get3A_282 = tpu.vector_load %arg4[%get3A_281] {strides = array<i32>} : memref<8192xi32, #tpu.memory_space<vmem>>, vector<16xi32>,
      %add3A_283 = arith.constant 0 : i32
      %add3A_284 = vector.broadcast %add3A_283 : i32 to vector<16xi32>
      %add3A_285 = arith.addi %iota3A, %add3A_284 : vector<16xi32>
      tpu.vector_store_idx %arg6[%add3A_285, %get3A_282], %broadcast_in_dim3A_3 : memref<64x256xf32, #tpu.memory_space<vmem>>[vector<16xi32>, vector<16xi32>], vector<16xf32>,
      %add3A_286 = arith.constant 16 : i32
      %add3A_287 = arith.addi %mul3A_278, %add3A_286 : i32
      %get3A_288 = arith.index_cast %add3A_287 : i32 to index
      %get3A_289 = tpu.vector_load %arg4[%get3A_288] {strides = array<i32>} : memref<8192xi32, #tpu.memory_space<vmem>>, vector<16xi32>,
      %add3A_290 = arith.constant 16 : i32
      %add3A_291 = vector.broadcast %add3A_290 : i32 to vector<16xi32>
      %add3A_292 = arith.addi %iota3A, %add3A_291 : vector<16xi32>
      tpu.vector_store_idx %arg6[%add3A_292, %get3A_289], %broadcast_in_dim3A_3 : memref<64x256xf32, #tpu.memory_space<vmem>>[vector<16xi32>, vector<16xi32>], vector<16xf32>,
      %add3A_293 = arith.constant 32 : i32
      %add3A_294 = arith.addi %mul3A_278, %add3A_293 : i32
      %get3A_295 = arith.index_cast %add3A_294 : i32 to index
      %get3A_296 = tpu.vector_load %arg4[%get3A_295] {strides = array<i32>} : memref<8192xi32, #tpu.memory_space<vmem>>, vector<16xi32>,
      %add3A_297 = arith.constant 32 : i32
      %add3A_298 = vector.broadcast %add3A_297 : i32 to vector<16xi32>
      %add3A_299 = arith.addi %iota3A, %add3A_298 : vector<16xi32>
      tpu.vector_store_idx %arg6[%add3A_299, %get3A_296], %broadcast_in_dim3A_3 : memref<64x256xf32, #tpu.memory_space<vmem>>[vector<16xi32>, vector<16xi32>], vector<16xf32>,
      %add3A_300 = arith.constant 48 : i32
      %add3A_301 = arith.addi %mul3A_278, %add3A_300 : i32
      %get3A_302 = arith.index_cast %add3A_301 : i32 to index
      %get3A_303 = tpu.vector_load %arg4[%get3A_302] {strides = array<i32>} : memref<8192xi32, #tpu.memory_space<vmem>>, vector<16xi32>,
      %add3A_304 = arith.constant 48 : i32
      %add3A_305 = vector.broadcast %add3A_304 : i32 to vector<16xi32>
      %add3A_306 = arith.addi %iota3A, %add3A_305 : vector<16xi32>
      tpu.vector_store_idx %arg6[%add3A_306, %get3A_303], %broadcast_in_dim3A_3 : memref<64x256xf32, #tpu.memory_space<vmem>>[vector<16xi32>, vector<16xi32>], vector<16xf32>,
      %mul3A_307 = arith.constant 64 : i32
      %mul3A_308 = arith.muli %add3A_264, %mul3A_307 : i32
      %add3A_309 = arith.constant 0 : i32
      %add3A_310 = arith.addi %mul3A_308, %add3A_309 : i32
      %get3A_311 = arith.index_cast %add3A_310 : i32 to index
      %get3A_312 = tpu.vector_load %arg4[%get3A_311] {strides = array<i32>} : memref<8192xi32, #tpu.memory_space<vmem>>, vector<16xi32>,
      %add3A_313 = arith.constant 0 : i32
      %add3A_314 = vector.broadcast %add3A_313 : i32 to vector<16xi32>
      %add3A_315 = arith.addi %iota3A, %add3A_314 : vector<16xi32>
      tpu.vector_store_idx %arg6[%add3A_315, %get3A_312], %broadcast_in_dim3A_5 : memref<64x256xf32, #tpu.memory_space<vmem>>[vector<16xi32>, vector<16xi32>], vector<16xf32>,
      %add3A_316 = arith.constant 16 : i32
      %add3A_317 = arith.addi %mul3A_308, %add3A_316 : i32
      %get3A_318 = arith.index_cast %add3A_317 : i32 to index
      %get3A_319 = tpu.vector_load %arg4[%get3A_318] {strides = array<i32>} : memref<8192xi32, #tpu.memory_space<vmem>>, vector<16xi32>,
      %add3A_320 = arith.constant 16 : i32
      %add3A_321 = vector.broadcast %add3A_320 : i32 to vector<16xi32>
      %add3A_322 = arith.addi %iota3A, %add3A_321 : vector<16xi32>
      tpu.vector_store_idx %arg6[%add3A_322, %get3A_319], %broadcast_in_dim3A_5 : memref<64x256xf32, #tpu.memory_space<vmem>>[vector<16xi32>, vector<16xi32>], vector<16xf32>,
      %add3A_323 = arith.constant 32 : i32
      %add3A_324 = arith.addi %mul3A_308, %add3A_323 : i32
      %get3A_325 = arith.index_cast %add3A_324 : i32 to index
      %get3A_326 = tpu.vector_load %arg4[%get3A_325] {strides = array<i32>} : memref<8192xi32, #tpu.memory_space<vmem>>, vector<16xi32>,
      %add3A_327 = arith.constant 32 : i32
      %add3A_328 = vector.broadcast %add3A_327 : i32 to vector<16xi32>
      %add3A_329 = arith.addi %iota3A, %add3A_328 : vector<16xi32>
      tpu.vector_store_idx %arg6[%add3A_329, %get3A_326], %broadcast_in_dim3A_5 : memref<64x256xf32, #tpu.memory_space<vmem>>[vector<16xi32>, vector<16xi32>], vector<16xf32>,
      %add3A_330 = arith.constant 48 : i32
      %add3A_331 = arith.addi %mul3A_308, %add3A_330 : i32
      %get3A_332 = arith.index_cast %add3A_331 : i32 to index
      %get3A_333 = tpu.vector_load %arg4[%get3A_332] {strides = array<i32>} : memref<8192xi32, #tpu.memory_space<vmem>>, vector<16xi32>,
      %add3A_334 = arith.constant 48 : i32
      %add3A_335 = vector.broadcast %add3A_334 : i32 to vector<16xi32>
      %add3A_336 = arith.addi %iota3A, %add3A_335 : vector<16xi32>
      tpu.vector_store_idx %arg6[%add3A_336, %get3A_333], %broadcast_in_dim3A_5 : memref<64x256xf32, #tpu.memory_space<vmem>>[vector<16xi32>, vector<16xi32>], vector<16xf32>,
      %mul3A_337 = arith.constant 64 : i32
      %mul3A_338 = arith.muli %add3A_264, %mul3A_337 : i32
      %add3A_339 = arith.addi %mul3A_2, %mul3A_338 : i32
      %multiple_of3A_340 = tpu.assume_multiple %add3A_339, 64 : i32
      %dma_start3A_341 = arith.constant 0 : i32
      %dma_start3A_342 = tpu.memref_slice %arg3[%multiple_of3A_340, %dma_start3A_341] : memref<262144x256xf32, #tpu.memory_space<hbm>> -> memref<64x256xf32, #tpu.memory_space<hbm>>
      %dma_start3A_343 = arith.constant 0 : i32
      %dma_start3A_344 = tpu.memref_slice %arg3[%multiple_of3A_340, %dma_start3A_343] : memref<262144x256xf32, #tpu.memory_space<hbm>> -> memref<64x256xf32, #tpu.memory_space<hbm>>
      tpu.enqueue_dma source(%arg6 : memref<64x256xf32, #tpu.memory_space<vmem>>) target(%dma_start3A_344 : memref<64x256xf32, #tpu.memory_space<hbm>>) target_semaphore(%arg10 : memref<!tpu.dma_semaphore, #tpu.memory_space<semaphore_mem>>)
      %mul3A_345 = arith.constant 4 : i32
      %mul3A_346 = arith.muli %scan3A_176, %mul3A_345 : i32
      %add3A_347 = arith.constant 2 : i32
      %add3A_348 = arith.addi %mul3A_346, %add3A_347 : i32
      %sub3A_349 = arith.constant 4 : i32
      %sub3A_350 = arith.subi %add3A_348, %sub3A_349 : i32
      %mul3A_351 = arith.constant 64 : i32
      %mul3A_352 = arith.muli %sub3A_350, %mul3A_351 : i32
      %add3A_353 = arith.addi %mul3A_2, %mul3A_352 : i32
      %multiple_of3A_354 = tpu.assume_multiple %add3A_353, 64 : i32
      %dma_wait3A_355 = arith.constant 0 : i32
      %dma_wait3A_356 = tpu.memref_slice %arg3[%multiple_of3A_354, %dma_wait3A_355] : memref<262144x256xf32, #tpu.memory_space<hbm>> -> memref<64x256xf32, #tpu.memory_space<hbm>>
      %dma_wait3A_357 = arith.constant 0 : i32
      %dma_wait3A_358 = tpu.memref_slice %arg3[%multiple_of3A_354, %dma_wait3A_357] : memref<262144x256xf32, #tpu.memory_space<hbm>> -> memref<64x256xf32, #tpu.memory_space<hbm>>
      tpu.wait_dma2 semaphore(%arg11 : memref<!tpu.dma_semaphore, #tpu.memory_space<semaphore_mem>>) src(%arg7 : memref<64x256xf32, #tpu.memory_space<vmem>>) dst(%dma_wait3A_358 : memref<64x256xf32, #tpu.memory_space<hbm>>)
      %sub3A_359 = arith.constant 4 : i32
      %sub3A_360 = arith.subi %add3A_348, %sub3A_359 : i32
      %mul3A_361 = arith.constant 64 : i32
      %mul3A_362 = arith.muli %sub3A_360, %mul3A_361 : i32
      %add3A_363 = arith.constant 0 : i32
      %add3A_364 = arith.addi %mul3A_362, %add3A_363 : i32
      %get3A_365 = arith.index_cast %add3A_364 : i32 to index
      %get3A_366 = tpu.vector_load %arg4[%get3A_365] {strides = array<i32>} : memref<8192xi32, #tpu.memory_space<vmem>>, vector<16xi32>,
      %add3A_367 = arith.constant 0 : i32
      %add3A_368 = vector.broadcast %add3A_367 : i32 to vector<16xi32>
      %add3A_369 = arith.addi %iota3A, %add3A_368 : vector<16xi32>
      tpu.vector_store_idx %arg7[%add3A_369, %get3A_366], %broadcast_in_dim3A_3 : memref<64x256xf32, #tpu.memory_space<vmem>>[vector<16xi32>, vector<16xi32>], vector<16xf32>,
      %add3A_370 = arith.constant 16 : i32
      %add3A_371 = arith.addi %mul3A_362, %add3A_370 : i32
      %get3A_372 = arith.index_cast %add3A_371 : i32 to index
      %get3A_373 = tpu.vector_load %arg4[%get3A_372] {strides = array<i32>} : memref<8192xi32, #tpu.memory_space<vmem>>, vector<16xi32>,
      %add3A_374 = arith.constant 16 : i32
      %add3A_375 = vector.broadcast %add3A_374 : i32 to vector<16xi32>
      %add3A_376 = arith.addi %iota3A, %add3A_375 : vector<16xi32>
      tpu.vector_store_idx %arg7[%add3A_376, %get3A_373], %broadcast_in_dim3A_3 : memref<64x256xf32, #tpu.memory_space<vmem>>[vector<16xi32>, vector<16xi32>], vector<16xf32>,
      %add3A_377 = arith.constant 32 : i32
      %add3A_378 = arith.addi %mul3A_362, %add3A_377 : i32
      %get3A_379 = arith.index_cast %add3A_378 : i32 to index
      %get3A_380 = tpu.vector_load %arg4[%get3A_379] {strides = array<i32>} : memref<8192xi32, #tpu.memory_space<vmem>>, vector<16xi32>,
      %add3A_381 = arith.constant 32 : i32
      %add3A_382 = vector.broadcast %add3A_381 : i32 to vector<16xi32>
      %add3A_383 = arith.addi %iota3A, %add3A_382 : vector<16xi32>
      tpu.vector_store_idx %arg7[%add3A_383, %get3A_380], %broadcast_in_dim3A_3 : memref<64x256xf32, #tpu.memory_space<vmem>>[vector<16xi32>, vector<16xi32>], vector<16xf32>,
      %add3A_384 = arith.constant 48 : i32
      %add3A_385 = arith.addi %mul3A_362, %add3A_384 : i32
      %get3A_386 = arith.index_cast %add3A_385 : i32 to index
      %get3A_387 = tpu.vector_load %arg4[%get3A_386] {strides = array<i32>} : memref<8192xi32, #tpu.memory_space<vmem>>, vector<16xi32>,
      %add3A_388 = arith.constant 48 : i32
      %add3A_389 = vector.broadcast %add3A_388 : i32 to vector<16xi32>
      %add3A_390 = arith.addi %iota3A, %add3A_389 : vector<16xi32>
      tpu.vector_store_idx %arg7[%add3A_390, %get3A_387], %broadcast_in_dim3A_3 : memref<64x256xf32, #tpu.memory_space<vmem>>[vector<16xi32>, vector<16xi32>], vector<16xf32>,
      %mul3A_391 = arith.constant 64 : i32
      %mul3A_392 = arith.muli %add3A_348, %mul3A_391 : i32
      %add3A_393 = arith.constant 0 : i32
      %add3A_394 = arith.addi %mul3A_392, %add3A_393 : i32
      %get3A_395 = arith.index_cast %add3A_394 : i32 to index
      %get3A_396 = tpu.vector_load %arg4[%get3A_395] {strides = array<i32>} : memref<8192xi32, #tpu.memory_space<vmem>>, vector<16xi32>,
      %add3A_397 = arith.constant 0 : i32
      %add3A_398 = vector.broadcast %add3A_397 : i32 to vector<16xi32>
      %add3A_399 = arith.addi %iota3A, %add3A_398 : vector<16xi32>
      tpu.vector_store_idx %arg7[%add3A_399, %get3A_396], %broadcast_in_dim3A_5 : memref<64x256xf32, #tpu.memory_space<vmem>>[vector<16xi32>, vector<16xi32>], vector<16xf32>,
      %add3A_400 = arith.constant 16 : i32
      %add3A_401 = arith.addi %mul3A_392, %add3A_400 : i32
      %get3A_402 = arith.index_cast %add3A_401 : i32 to index
      %get3A_403 = tpu.vector_load %arg4[%get3A_402] {strides = array<i32>} : memref<8192xi32, #tpu.memory_space<vmem>>, vector<16xi32>,
      %add3A_404 = arith.constant 16 : i32
      %add3A_405 = vector.broadcast %add3A_404 : i32 to vector<16xi32>
      %add3A_406 = arith.addi %iota3A, %add3A_405 : vector<16xi32>
      tpu.vector_store_idx %arg7[%add3A_406, %get3A_403], %broadcast_in_dim3A_5 : memref<64x256xf32, #tpu.memory_space<vmem>>[vector<16xi32>, vector<16xi32>], vector<16xf32>,
      %add3A_407 = arith.constant 32 : i32
      %add3A_408 = arith.addi %mul3A_392, %add3A_407 : i32
      %get3A_409 = arith.index_cast %add3A_408 : i32 to index
      %get3A_410 = tpu.vector_load %arg4[%get3A_409] {strides = array<i32>} : memref<8192xi32, #tpu.memory_space<vmem>>, vector<16xi32>,
      %add3A_411 = arith.constant 32 : i32
      %add3A_412 = vector.broadcast %add3A_411 : i32 to vector<16xi32>
      %add3A_413 = arith.addi %iota3A, %add3A_412 : vector<16xi32>
      tpu.vector_store_idx %arg7[%add3A_413, %get3A_410], %broadcast_in_dim3A_5 : memref<64x256xf32, #tpu.memory_space<vmem>>[vector<16xi32>, vector<16xi32>], vector<16xf32>,
      %add3A_414 = arith.constant 48 : i32
      %add3A_415 = arith.addi %mul3A_392, %add3A_414 : i32
      %get3A_416 = arith.index_cast %add3A_415 : i32 to index
      %get3A_417 = tpu.vector_load %arg4[%get3A_416] {strides = array<i32>} : memref<8192xi32, #tpu.memory_space<vmem>>, vector<16xi32>,
      %add3A_418 = arith.constant 48 : i32
      %add3A_419 = vector.broadcast %add3A_418 : i32 to vector<16xi32>
      %add3A_420 = arith.addi %iota3A, %add3A_419 : vector<16xi32>
      tpu.vector_store_idx %arg7[%add3A_420, %get3A_417], %broadcast_in_dim3A_5 : memref<64x256xf32, #tpu.memory_space<vmem>>[vector<16xi32>, vector<16xi32>], vector<16xf32>,
      %mul3A_421 = arith.constant 64 : i32
      %mul3A_422 = arith.muli %add3A_348, %mul3A_421 : i32
      %add3A_423 = arith.addi %mul3A_2, %mul3A_422 : i32
      %multiple_of3A_424 = tpu.assume_multiple %add3A_423, 64 : i32
      %dma_start3A_425 = arith.constant 0 : i32
      %dma_start3A_426 = tpu.memref_slice %arg3[%multiple_of3A_424, %dma_start3A_425] : memref<262144x256xf32, #tpu.memory_space<hbm>> -> memref<64x256xf32, #tpu.memory_space<hbm>>
      %dma_start3A_427 = arith.constant 0 : i32
      %dma_start3A_428 = tpu.memref_slice %arg3[%multiple_of3A_424, %dma_start3A_427] : memref<262144x256xf32, #tpu.memory_space<hbm>> -> memref<64x256xf32, #tpu.memory_space<hbm>>
      tpu.enqueue_dma source(%arg7 : memref<64x256xf32, #tpu.memory_space<vmem>>) target(%dma_start3A_428 : memref<64x256xf32, #tpu.memory_space<hbm>>) target_semaphore(%arg11 : memref<!tpu.dma_semaphore, #tpu.memory_space<semaphore_mem>>)
      %mul3A_429 = arith.constant 4 : i32
      %mul3A_430 = arith.muli %scan3A_176, %mul3A_429 : i32
      %add3A_431 = arith.constant 3 : i32
      %add3A_432 = arith.addi %mul3A_430, %add3A_431 : i32
      %sub3A_433 = arith.constant 4 : i32
      %sub3A_434 = arith.subi %add3A_432, %sub3A_433 : i32
      %mul3A_435 = arith.constant 64 : i32
      %mul3A_436 = arith.muli %sub3A_434, %mul3A_435 : i32
      %add3A_437 = arith.addi %mul3A_2, %mul3A_436 : i32
      %multiple_of3A_438 = tpu.assume_multiple %add3A_437, 64 : i32
      %dma_wait3A_439 = arith.constant 0 : i32
      %dma_wait3A_440 = tpu.memref_slice %arg3[%multiple_of3A_438, %dma_wait3A_439] : memref<262144x256xf32, #tpu.memory_space<hbm>> -> memref<64x256xf32, #tpu.memory_space<hbm>>
      %dma_wait3A_441 = arith.constant 0 : i32
      %dma_wait3A_442 = tpu.memref_slice %arg3[%multiple_of3A_438, %dma_wait3A_441] : memref<262144x256xf32, #tpu.memory_space<hbm>> -> memref<64x256xf32, #tpu.memory_space<hbm>>
      tpu.wait_dma2 semaphore(%arg12 : memref<!tpu.dma_semaphore, #tpu.memory_space<semaphore_mem>>) src(%arg8 : memref<64x256xf32, #tpu.memory_space<vmem>>) dst(%dma_wait3A_442 : memref<64x256xf32, #tpu.memory_space<hbm>>)
      %sub3A_443 = arith.constant 4 : i32
      %sub3A_444 = arith.subi %add3A_432, %sub3A_443 : i32
      %mul3A_445 = arith.constant 64 : i32
      %mul3A_446 = arith.muli %sub3A_444, %mul3A_445 : i32
      %add3A_447 = arith.constant 0 : i32
      %add3A_448 = arith.addi %mul3A_446, %add3A_447 : i32
      %get3A_449 = arith.index_cast %add3A_448 : i32 to index
      %get3A_450 = tpu.vector_load %arg4[%get3A_449] {strides = array<i32>} : memref<8192xi32, #tpu.memory_space<vmem>>, vector<16xi32>,
      %add3A_451 = arith.constant 0 : i32
      %add3A_452 = vector.broadcast %add3A_451 : i32 to vector<16xi32>
      %add3A_453 = arith.addi %iota3A, %add3A_452 : vector<16xi32>
      tpu.vector_store_idx %arg8[%add3A_453, %get3A_450], %broadcast_in_dim3A_3 : memref<64x256xf32, #tpu.memory_space<vmem>>[vector<16xi32>, vector<16xi32>], vector<16xf32>,
      %add3A_454 = arith.constant 16 : i32
      %add3A_455 = arith.addi %mul3A_446, %add3A_454 : i32
      %get3A_456 = arith.index_cast %add3A_455 : i32 to index
      %get3A_457 = tpu.vector_load %arg4[%get3A_456] {strides = array<i32>} : memref<8192xi32, #tpu.memory_space<vmem>>, vector<16xi32>,
      %add3A_458 = arith.constant 16 : i32
      %add3A_459 = vector.broadcast %add3A_458 : i32 to vector<16xi32>
      %add3A_460 = arith.addi %iota3A, %add3A_459 : vector<16xi32>
      tpu.vector_store_idx %arg8[%add3A_460, %get3A_457], %broadcast_in_dim3A_3 : memref<64x256xf32, #tpu.memory_space<vmem>>[vector<16xi32>, vector<16xi32>], vector<16xf32>,
      %add3A_461 = arith.constant 32 : i32
      %add3A_462 = arith.addi %mul3A_446, %add3A_461 : i32
      %get3A_463 = arith.index_cast %add3A_462 : i32 to index
      %get3A_464 = tpu.vector_load %arg4[%get3A_463] {strides = array<i32>} : memref<8192xi32, #tpu.memory_space<vmem>>, vector<16xi32>,
      %add3A_465 = arith.constant 32 : i32
      %add3A_466 = vector.broadcast %add3A_465 : i32 to vector<16xi32>
      %add3A_467 = arith.addi %iota3A, %add3A_466 : vector<16xi32>
      tpu.vector_store_idx %arg8[%add3A_467, %get3A_464], %broadcast_in_dim3A_3 : memref<64x256xf32, #tpu.memory_space<vmem>>[vector<16xi32>, vector<16xi32>], vector<16xf32>,
      %add3A_468 = arith.constant 48 : i32
      %add3A_469 = arith.addi %mul3A_446, %add3A_468 : i32
      %get3A_470 = arith.index_cast %add3A_469 : i32 to index
      %get3A_471 = tpu.vector_load %arg4[%get3A_470] {strides = array<i32>} : memref<8192xi32, #tpu.memory_space<vmem>>, vector<16xi32>,
      %add3A_472 = arith.constant 48 : i32
      %add3A_473 = vector.broadcast %add3A_472 : i32 to vector<16xi32>
      %add3A_474 = arith.addi %iota3A, %add3A_473 : vector<16xi32>
      tpu.vector_store_idx %arg8[%add3A_474, %get3A_471], %broadcast_in_dim3A_3 : memref<64x256xf32, #tpu.memory_space<vmem>>[vector<16xi32>, vector<16xi32>], vector<16xf32>,
      %mul3A_475 = arith.constant 64 : i32
      %mul3A_476 = arith.muli %add3A_432, %mul3A_475 : i32
      %add3A_477 = arith.constant 0 : i32
      %add3A_478 = arith.addi %mul3A_476, %add3A_477 : i32
      %get3A_479 = arith.index_cast %add3A_478 : i32 to index
      %get3A_480 = tpu.vector_load %arg4[%get3A_479] {strides = array<i32>} : memref<8192xi32, #tpu.memory_space<vmem>>, vector<16xi32>,
      %add3A_481 = arith.constant 0 : i32
      %add3A_482 = vector.broadcast %add3A_481 : i32 to vector<16xi32>
      %add3A_483 = arith.addi %iota3A, %add3A_482 : vector<16xi32>
      tpu.vector_store_idx %arg8[%add3A_483, %get3A_480], %broadcast_in_dim3A_5 : memref<64x256xf32, #tpu.memory_space<vmem>>[vector<16xi32>, vector<16xi32>], vector<16xf32>,
      %add3A_484 = arith.constant 16 : i32
      %add3A_485 = arith.addi %mul3A_476, %add3A_484 : i32
      %get3A_486 = arith.index_cast %add3A_485 : i32 to index
      %get3A_487 = tpu.vector_load %arg4[%get3A_486] {strides = array<i32>} : memref<8192xi32, #tpu.memory_space<vmem>>, vector<16xi32>,
      %add3A_488 = arith.constant 16 : i32
      %add3A_489 = vector.broadcast %add3A_488 : i32 to vector<16xi32>
      %add3A_490 = arith.addi %iota3A, %add3A_489 : vector<16xi32>
      tpu.vector_store_idx %arg8[%add3A_490, %get3A_487], %broadcast_in_dim3A_5 : memref<64x256xf32, #tpu.memory_space<vmem>>[vector<16xi32>, vector<16xi32>], vector<16xf32>,
      %add3A_491 = arith.constant 32 : i32
      %add3A_492 = arith.addi %mul3A_476, %add3A_491 : i32
      %get3A_493 = arith.index_cast %add3A_492 : i32 to index
      %get3A_494 = tpu.vector_load %arg4[%get3A_493] {strides = array<i32>} : memref<8192xi32, #tpu.memory_space<vmem>>, vector<16xi32>,
      %add3A_495 = arith.constant 32 : i32
      %add3A_496 = vector.broadcast %add3A_495 : i32 to vector<16xi32>
      %add3A_497 = arith.addi %iota3A, %add3A_496 : vector<16xi32>
      tpu.vector_store_idx %arg8[%add3A_497, %get3A_494], %broadcast_in_dim3A_5 : memref<64x256xf32, #tpu.memory_space<vmem>>[vector<16xi32>, vector<16xi32>], vector<16xf32>,
      %add3A_498 = arith.constant 48 : i32
      %add3A_499 = arith.addi %mul3A_476, %add3A_498 : i32
      %get3A_500 = arith.index_cast %add3A_499 : i32 to index
      %get3A_501 = tpu.vector_load %arg4[%get3A_500] {strides = array<i32>} : memref<8192xi32, #tpu.memory_space<vmem>>, vector<16xi32>,
      %add3A_502 = arith.constant 48 : i32
      %add3A_503 = vector.broadcast %add3A_502 : i32 to vector<16xi32>
      %add3A_504 = arith.addi %iota3A, %add3A_503 : vector<16xi32>
      tpu.vector_store_idx %arg8[%add3A_504, %get3A_501], %broadcast_in_dim3A_5 : memref<64x256xf32, #tpu.memory_space<vmem>>[vector<16xi32>, vector<16xi32>], vector<16xf32>,
      %mul3A_505 = arith.constant 64 : i32
      %mul3A_506 = arith.muli %add3A_432, %mul3A_505 : i32
      %add3A_507 = arith.addi %mul3A_2, %mul3A_506 : i32
      %multiple_of3A_508 = tpu.assume_multiple %add3A_507, 64 : i32
      %dma_start3A_509 = arith.constant 0 : i32
      %dma_start3A_510 = tpu.memref_slice %arg3[%multiple_of3A_508, %dma_start3A_509] : memref<262144x256xf32, #tpu.memory_space<hbm>> -> memref<64x256xf32, #tpu.memory_space<hbm>>
      %dma_start3A_511 = arith.constant 0 : i32
      %dma_start3A_512 = tpu.memref_slice %arg3[%multiple_of3A_508, %dma_start3A_511] : memref<262144x256xf32, #tpu.memory_space<hbm>> -> memref<64x256xf32, #tpu.memory_space<hbm>>
      tpu.enqueue_dma source(%arg8 : memref<64x256xf32, #tpu.memory_space<vmem>>) target(%dma_start3A_512 : memref<64x256xf32, #tpu.memory_space<hbm>>) target_semaphore(%arg12 : memref<!tpu.dma_semaphore, #tpu.memory_space<semaphore_mem>>)
      %scan3A_513 = arith.constant 0 : i32
      scf.yield %scan3A_513 : i32
    }
    %scan3A_147 = arith.constant 31 : i32
    %add3A_148 = arith.constant 7936 : i32
    %add3A_149 = arith.addi %mul3A_2, %add3A_148 : i32
    %multiple_of3A_150 = tpu.assume_multiple %add3A_149, 64 : i32
    %dma_wait3A_151 = arith.constant 0 : i32
    %dma_wait3A_152 = tpu.memref_slice %arg3[%multiple_of3A_150, %dma_wait3A_151] : memref<262144x256xf32, #tpu.memory_space<hbm>> -> memref<64x256xf32, #tpu.memory_space<hbm>>
    %dma_wait3A_153 = arith.constant 0 : i32
    %dma_wait3A_154 = tpu.memref_slice %arg3[%multiple_of3A_150, %dma_wait3A_153] : memref<262144x256xf32, #tpu.memory_space<hbm>> -> memref<64x256xf32, #tpu.memory_space<hbm>>
    tpu.wait_dma2 semaphore(%arg9 : memref<!tpu.dma_semaphore, #tpu.memory_space<semaphore_mem>>) src(%arg5 : memref<64x256xf32, #tpu.memory_space<vmem>>) dst(%dma_wait3A_154 : memref<64x256xf32, #tpu.memory_space<hbm>>)
    %add3A_155 = arith.constant 8000 : i32
    %add3A_156 = arith.addi %mul3A_2, %add3A_155 : i32
    %multiple_of3A_157 = tpu.assume_multiple %add3A_156, 64 : i32
    %dma_wait3A_158 = arith.constant 0 : i32
    %dma_wait3A_159 = tpu.memref_slice %arg3[%multiple_of3A_157, %dma_wait3A_158] : memref<262144x256xf32, #tpu.memory_space<hbm>> -> memref<64x256xf32, #tpu.memory_space<hbm>>
    %dma_wait3A_160 = arith.constant 0 : i32
    %dma_wait3A_161 = tpu.memref_slice %arg3[%multiple_of3A_157, %dma_wait3A_160] : memref<262144x256xf32, #tpu.memory_space<hbm>> -> memref<64x256xf32, #tpu.memory_space<hbm>>
    tpu.wait_dma2 semaphore(%arg10 : memref<!tpu.dma_semaphore, #tpu.memory_space<semaphore_mem>>) src(%arg6 : memref<64x256xf32, #tpu.memory_space<vmem>>) dst(%dma_wait3A_161 : memref<64x256xf32, #tpu.memory_space<hbm>>)
    %add3A_162 = arith.constant 8064 : i32
    %add3A_163 = arith.addi %mul3A_2, %add3A_162 : i32
    %multiple_of3A_164 = tpu.assume_multiple %add3A_163, 64 : i32
    %dma_wait3A_165 = arith.constant 0 : i32
    %dma_wait3A_166 = tpu.memref_slice %arg3[%multiple_of3A_164, %dma_wait3A_165] : memref<262144x256xf32, #tpu.memory_space<hbm>> -> memref<64x256xf32, #tpu.memory_space<hbm>>
    %dma_wait3A_167 = arith.constant 0 : i32
    %dma_wait3A_168 = tpu.memref_slice %arg3[%multiple_of3A_164, %dma_wait3A_167] : memref<262144x256xf32, #tpu.memory_space<hbm>> -> memref<64x256xf32, #tpu.memory_space<hbm>>
    tpu.wait_dma2 semaphore(%arg11 : memref<!tpu.dma_semaphore, #tpu.memory_space<semaphore_mem>>) src(%arg7 : memref<64x256xf32, #tpu.memory_space<vmem>>) dst(%dma_wait3A_168 : memref<64x256xf32, #tpu.memory_space<hbm>>)
    %add3A_169 = arith.constant 8128 : i32
    %add3A_170 = arith.addi %mul3A_2, %add3A_169 : i32
    %multiple_of3A_171 = tpu.assume_multiple %add3A_170, 64 : i32
    %dma_wait3A_172 = arith.constant 0 : i32
    %dma_wait3A_173 = tpu.memref_slice %arg3[%multiple_of3A_171, %dma_wait3A_172] : memref<262144x256xf32, #tpu.memory_space<hbm>> -> memref<64x256xf32, #tpu.memory_space<hbm>>
    %dma_wait3A_174 = arith.constant 0 : i32
    %dma_wait3A_175 = tpu.memref_slice %arg3[%multiple_of3A_171, %dma_wait3A_174] : memref<262144x256xf32, #tpu.memory_space<hbm>> -> memref<64x256xf32, #tpu.memory_space<hbm>>
    tpu.wait_dma2 semaphore(%arg12 : memref<!tpu.dma_semaphore, #tpu.memory_space<semaphore_mem>>) src(%arg8 : memref<64x256xf32, #tpu.memory_space<vmem>>) dst(%dma_wait3A_175 : memref<64x256xf32, #tpu.memory_space<hbm>>)
    return
  }
}

</mosaic_0001>

<sc_bundles>
// kernel: kernel.3.cloned.1.call-start
scs
__scs_entry_jumppad:
0x0: {  	(pc) =	sbr.rel $0x88, $3  }
0x1: {  	(tag) =	ssettag $0x0;
	lr =	simm.s32 $0x1  }
0x2: {  	[smem:$0x3FA0] =	sst lr;
	_ =	strace $0xD0000000  }
0x3: {  	_ = 	snop  }
0x4: {  	_ = 	snop  }
0x5: {  	_ = 	snop  }
0x6: {  	_ = 	snop  }
0x7: {  	_ = 	snop  }
__scs_overlays_trampoline_lowered:
0x8: {  	[smem:$0x3FAF] =	sst s0  }
0x9: {  	[smem:$0x3FB0] =	sst s1  }
0xa: {  	[smem:$0x3FB1] =	sst s2  }
0xb: {  	[smem:$0x3FB2] =	sst s3  }
0xc: {  	[smem:$0x3FB3] =	sst s4  }
0xd: {  	[smem:$0x3FB4] =	sst s5  }
0xe: {  	[smem:$0x3FB5] =	sst s6  }
0xf: {  	[smem:$0x3FB6] =	sst s7  }
0x10: {  	[smem:$0x3FB7] =	sst s8  }
0x11: {  	[smem:$0x3FB8] =	sst s9;
	s0 =	simm.s32 @!p0 $0x0  }
0x12: {  	s1 =	sld [smem:$0x3F9E];
	s0 =	simm.s32 @p0 $0x1  }
0x13: {  	[smem:$0x3FB9] =	sst s0;
	s0 =	simm.s32 @!p1 $0x0  }
0x14: {  	s2 =	sld [smem:$0x3F9D];
	s0 =	simm.s32 @p1 $0x1  }
0x15: {  	[smem:$0x3FBA] =	sst s0;
	s0 =	simm.s32 @!p2 $0x0  }
0x16: {  	s3 =	sld [smem:$0x3FDB];
	s0 =	simm.s32 @p2 $0x1  }
0x17: {  	s4 =	simm.s32 $0x1BF5;
	[smem:$0x3FBC] =	sst s0  }
0x18: {  	s0 =	sld [smem:$0x3F9F];
	_ =	swait.ge [sflag:s4], $0x0  }
0x19: {  	s7 =	sld [smem:$0x3FA0]  }
0x1a: {  	s8 =	sadd.s32 $0xFFFFE003, lr  }
0x1b: {  	s9 =	sadd.s32 $0xFFFFFEF7, lr;
	s5 =	simm.s32 $0xFFFFFFFF;
	p2 =	slt.u32 s8, $0xFFFFF086  }
0x1c: {  	p1 =	slt.u32 s9, $0xF7A;
	s5 =	simm.s32 @!p2 $0x0  }
0x1d: {  	s5 =	simm.s32 @p1 $0x1;
	p0 =	seq.s32 s7, s2  }
0x1e: {  	s7 =	smul.u32 @!p0 $0xF7A, s2;
	p2 =	seq.s32 @!p0 s5, $0x0  }
0x1f: {  	s9 =	smul.u32 $0xF7A, s1;
	s8 =	simm.s32 @!p0 $0x1BF5;
	p2 =	por !p2, p0  }
0x20: {  	[sflag:s8] =	ssyncset.s32 @!p0 $0xFFFFF086;
	s6 =	sadd.s32 @!p0 s3, s7;
	s7 =	simm.s32 @!p0 $0x108  }
0x21: {  	s3 =	sadd.s32 s3, s9;
	s6 =	sadd.s32 @!p0 $0x88, s6;
	s7 =	simm.s32 @p2 $0x1082  }
0x22: {  	[simem:s7], [sflag:s8] =	dma.local @!p0 [hbm:s6], $0xF7A  }
0x23: {  	s9 =	sor.u32 $0xD0000000, s2;
	s6 =	simm.s32 $0x108;
	_ =	swait.ge @!p0 [sflag:s8], $0x0  }
0x24: {  	s3 =	sadd.s32 $0x88, s3;
	s6 =	simm.s32 @!p1 $0x1082;
	[sflag:s4] =	ssyncset.s32 $0xFFFFF086  }
0x25: {  	[simem:s6], [sflag:s4] =	dma.local [hbm:s3], $0xF7A  }
0x26: {  	[smem:$0x3FA0] =	sst s1;
	(tag) =	ssettag s2;
	_ =	strace s9  }
0x27: {  	s1 =	sld [smem:$0x3FB0]  }
0x28: {  	s2 =	sld [smem:$0x3FB1]  }
0x29: {  	s4 =	sld [smem:$0x3FB3]  }
0x2a: {  	p0 =	seq.s32 s5, $0x0;
	s5 =	sld [smem:$0x3FB4]  }
0x2b: {  	s6 =	sld [smem:$0x3FB5]  }
0x2c: {  	s7 =	sld [smem:$0x3FB6]  }
0x2d: {  	s3 =	simm.s32 $0x108;
	s8 =	sld [smem:$0x3FB7]  }
0x2e: {  	s3 =	simm.s32 @!p0 $0x1082;
	s9 =	sld [smem:$0x3FB8]  }
0x2f: {  	lr =	sadd.s32 s0, s3;
	s0 =	sld [smem:$0x3FAF]  }
0x30: {  	s3 =	sld [smem:$0x3FB2]  }
0x31: {  	[smem:$0x3FBB] =	sst s10  }
0x32: {  	s10 =	sld [smem:$0x3FB9];
	_ =	sdelay $0x3  }
0x33: {  	p0 =	seq.s32 s10, $0x1;
	s10 =	sld [smem:$0x3FBB];
	_ =	sdelay $0x3  }
0x34: {  	[smem:$0x3FBB] =	sst s10  }
0x35: {  	s10 =	sld [smem:$0x3FBA];
	_ =	sdelay $0x3  }
0x36: {  	p1 =	seq.s32 s10, $0x1;
	s10 =	sld [smem:$0x3FBB];
	_ =	sdelay $0x3  }
0x37: {  	[smem:$0x3FBB] =	sst s10  }
0x38: {  	s10 =	sld [smem:$0x3FBC]  }
0x39: {  	_ = 	snop;
	(pc) =	sbr.ind lr, $3  }
0x3a: {  	_ = 	snop  }
0x3b: {  	_ = 	snop  }
0x3c: {  	p2 =	seq.s32 s10, $0x1;
	s10 =	sld [smem:$0x3FBB]  }
0x3d: {  	_ =	shalt  }
0x3e: {  	_ =	shalt  }
0x3f: {  	_ =	shalt  }
0x40: {  	_ =	shalt  }
0x41: {  	_ =	shalt  }
0x42: {  	_ =	shalt  }
0x43: {  	_ =	shalt  }
0x44: {  	_ =	shalt  }
0x45: {  	_ =	shalt  }
0x46: {  	_ =	shalt  }
0x47: {  	_ =	shalt  }
0x48: {  	_ =	shalt  }
0x49: {  	_ =	shalt  }
0x4a: {  	_ =	shalt  }
0x4b: {  	_ =	shalt  }
0x4c: {  	_ =	shalt  }
0x4d: {  	_ =	shalt  }
0x4e: {  	_ =	shalt  }
0x4f: {  	_ =	shalt  }
0x50: {  	_ =	shalt  }
0x51: {  	_ =	shalt  }
0x52: {  	_ =	shalt  }
0x53: {  	_ =	shalt  }
0x54: {  	_ =	shalt  }
0x55: {  	_ =	shalt  }
0x56: {  	_ =	shalt  }
0x57: {  	_ =	shalt  }
0x58: {  	_ =	shalt  }
0x59: {  	_ =	shalt  }
0x5a: {  	_ =	shalt  }
0x5b: {  	_ =	shalt  }
0x5c: {  	_ =	shalt  }
0x5d: {  	_ =	shalt  }
0x5e: {  	_ =	shalt  }
0x5f: {  	_ =	shalt  }
0x60: {  	_ =	shalt  }
0x61: {  	_ =	shalt  }
0x62: {  	_ =	shalt  }
0x63: {  	_ =	shalt  }
0x64: {  	_ =	shalt  }
0x65: {  	_ =	shalt  }
0x66: {  	_ =	shalt  }
0x67: {  	_ =	shalt  }
0x68: {  	_ =	shalt  }
0x69: {  	_ =	shalt  }
0x6a: {  	_ =	shalt  }
0x6b: {  	_ =	shalt  }
0x6c: {  	_ =	shalt  }
0x6d: {  	_ =	shalt  }
0x6e: {  	_ =	shalt  }
0x6f: {  	_ =	shalt  }
0x70: {  	_ =	shalt  }
0x71: {  	_ =	shalt  }
0x72: {  	_ =	shalt  }
0x73: {  	_ =	shalt  }
0x74: {  	_ =	shalt  }
0x75: {  	_ =	shalt  }
0x76: {  	_ =	shalt  }
0x77: {  	_ =	shalt  }
0x78: {  	_ =	shalt  }
0x79: {  	_ =	shalt  }
0x7a: {  	_ =	shalt  }
0x7b: {  	_ =	shalt  }
0x7c: {  	_ =	shalt  }
0x7d: {  	_ =	shalt  }
0x7e: {  	_ =	shalt  }
0x7f: {  	_ =	shalt  }
0x80: {  	_ =	shalt  }
0x81: {  	_ =	shalt  }
0x82: {  	_ =	shalt  }
0x83: {  	_ =	shalt  }
0x84: {  	_ =	shalt  }
0x85: {  	_ =	shalt  }
0x86: {  	_ =	shalt  }
0x87: {  	_ =	shalt  }
.Lfunc_end0:
.L_simem_size_0:
called_computation_lowered:
.L_overlay_start_0:
0x88: {  	s2 =	sld [smem:$0x3FD9]  }
0x89: {  	s3 =	sld [smem:$0x3FFE];
	_ =	sdelay $0x1  }
0x8a: {  	s1 =	srdreg.scid  }
0x8b: {  	s0 =	sand.u32 $0x1, s1  }
0x8c: {  	s17 =	sshll.u32 s0, $0xA;
	s2 =	sadd.s32 s3, s2  }
0x8d: {  	s2 =	sadd.s32 s2, s17  }
0x8e: {  	[smem:$0x3FC7] =	sst s2  }
0x8f: {  	_ = 	snop  }
0x90: {  	s2 =	sld [smem:$0x3FD0];
	(tm) =	ssettm $0x1  }
0x91: {  	s18 =	sld [smem:$0x3FFB];
	_ =	sdelay $0x3  }
0x92: {  	_ =	strace s18  }
0x93: {  	s3 =	sld [smem:$0x3FFC];
	_ =	sdelay $0x3  }
0x94: {  	_ =	strace s3  }
0x95: {  	s3 =	sld [smem:$0x3FFD];
	_ =	sdelay $0x3  }
0x96: {  	_ =	strace s3  }
0x97: {  	_ =	strace $0x8FFFFFFF  }
0x98: {  	s19 =	sld [smem:$0x3FDB];
	_ =	sdelay $0x1  }
0x99: {  	s4 =	simm.s32 $_scs_section_size  }
0x9a: {  	s5 =	simm.s32 $_size__tile_overlayer_lowered;
	s6 =	simm.s32 $_tile_overlayer_lowered  }
0x9b: {  	s22 =	simm.s32 $0x1BFF;
	s21 =	sshll.u32 s6, $0x1;
	s3 =	sadd.s32 s4, s19  }
0x9c: {  	s7 =	simm.s32 $0x0;
	s20 =	sshll.u32 s5, $0x1;
	s5 =	sadd.s32 s21, s3  }
0x9d: {  	[timem:s7], [sflag:s22] =	dma.local [hbm:s5], s20  }
0x9e: {  	_ =	swait.ge [sflag:s22], s20  }
0x9f: {  	s4 =	ssub.s32 $0x0, s20;
	[sflag:s22] =	ssyncset.done $0x0  }
0xa0: {  	[sflag:s22] =	ssyncadd.s32 s4;
	_ =	sdelay $0x1  }
0xa1: {  	s23 =	simm.s32 $0x1B8B  }
0xa2: {  	_ =	swait.ge [sflag:s23], $0x1  }
0xa3: {  	[sflag:s23] =	ssyncset.done $0x0  }
0xa4: {  	s25 =	simm.s32 $0x1B8E;
	s24 =	sld [smem:$0x3FFE];
	[sflag:s23] =	ssyncadd.s32 $0xFFFFFFFF  }
0xa5: {  	s26 =	simm.s32 $execute0_lowered;
	[smem:$0x3FD2] =	sst s25  }
0xa6: {  	s5 =	sshll.u32 s26, $0x1;
	_ =	strace $0x80000046;
	[dreg:$0x1] =	wrdreg $0xFFFFFFFF  }
0xa7: {  	s28 =	simm.s32 $_size_execute0_lowered;
	s3 =	sadd.s32 s3, s5;
	[dreg:$0x0] =	wrdreg $0x0  }
0xa8: {  	s5 =	sshll.u32 s28, $0x1;
	[dreg:$0x2] =	wrdreg s3  }
0xa9: {  	[dreg:$0x3] =	wrdreg s5  }
0xaa: {  	[dreg:$0x4] =	wrdreg $0xC0  }
0xab: {  	_ =	task [dreg:s7], $0x5FFFF  }
0xac: {  	[dreg:$0x1] =	wrdreg $0xFFFFFFFF  }
0xad: {  	[dreg:$0x0] =	wrdreg $0x60  }
0xae: {  	[dreg:$0x2] =	wrdreg s24  }
0xaf: {  	[dreg:$0x3] =	wrdreg s2  }
0xb0: {  	[dreg:$0x4] =	wrdreg $0x9  }
0xb1: {  	_ =	task.clear_ibuf [dreg:s7], $0x5FFFF;
	_ =	strace $0x90000046  }
0xb2: {  	s29 =	simm.s32 $0x9;
	_ =	strace $0x80000048  }
0xb3: {  	_ =	swait.ge [sflag:s29], $0x1  }
0xb4: {  	[sflag:s29] =	ssyncadd.s32 $0xFFFFFFFF  }
0xb5: {  	_ =	strace $0x90000048  }
0xb6: {  	_ =	sfence  }
0xb7: {  	s30 =	sld [smem:$0x0];
	_ =	sdelay $0x2  }
0xb8: {  	s31 =	sshll.u32 s1, $0xD;
	s1 =	sshrl.u32 s1, $0x2  }
0xb9: {  	s3 =	sand.u32 $0x4000, s31;
	s1 =	sadd.s32 s1, s30  }
0xba: {  	s0 =	sor.u32 s3, s0;
	s1 =	sshll.u32 s1, $0x11  }
0xbb: {  	s0 =	sor.u32 s1, s0  }
0xbc: {  	s0 =	sadd.s32 $0x8F2B, s0  }
0xbd: {  	[sflag:s0] =	ssyncadd.remote.s32 $0x1  }
0xbe: {  	_ =	sfence.sel $0xFFFF  }
0xbf: {  	[dreg:$0x0] =	wrdreg $0xFFFFFFFF;
	(pc) =	sbr.abs _section_cstart, $3  }
0xc0: {  	[dreg:$0x1] =	wrdreg $0xFFFFFFFF  }
0xc1: {  	_ =	task.clear_ibuf [dreg:s7], $0x2FFFF;
	_ =	strace $0x9FFFFFFF  }
0xc2: {  	(tm) =	ssettm $0x7FFFFFFF  }
0xc3: {  	_ =	shalt  }
tec
execute0_lowered:
.L_overlay_start_1:
0x0: {  	(tag) =	ssettag $0x1  }
0x1: {  	v0 =	vimm.s32 $0xB80;
	vm14 =	vcmask $0x300;
	vm13 =	vcmask $0x704  }
0x2: {  	vm12 =	vcmask $0xB08;
	vm11 =	vcmask $0xF0C;
	vm10 =	vcmask $0x1310  }
0x3: {  	vm9 =	vcmask $0x1714;
	vm8 =	vcmask $0x1B18;
	vm7 =	vcmask $0x1F1C  }
0x4: {  	vm6 =	vcmask $0x2320;
	vm5 =	vcmask $0x2724;
	vm4 =	vcmask $0x2B28  }
0x5: {  	vm3 =	vcmask $0x2F2C;
	vm2 =	vcmask $0x3330;
	vm1 =	vcmask $0x3734  }
0x6: {  	vm0 =	vcmask $0x3B38;
	v2 =	vimm.f32 $1.000000000e+00;
	v3 =	vimm.s32 $0x1B80  }
0x7: {  	v4 =	vimm.s32 $0x2B80;
	v5 =	vimm.s32 $0x3B80;
	v0 =	vsel vm14, $0x0, v0  }
0x8: {  	v3 =	vsel vm14, $0x1000, v3;
	v4 =	vsel vm14, $0x2000, v4;
	v5 =	vsel vm14, $0x3000, v5  }
0x9: {  	v0 =	vsel vm13, $0x80, v0;
	v3 =	vsel vm13, $0x1080, v3;
	v4 =	vsel vm13, $0x2080, v4  }
0xa: {  	v5 =	vsel vm13, $0x3080, v5;
	v0 =	vsel vm12, $0x100, v0;
	v3 =	vsel vm12, $0x1100, v3  }
0xb: {  	v4 =	vsel vm12, $0x2100, v4;
	v5 =	vsel vm12, $0x3100, v5;
	v0 =	vsel vm11, $0x180, v0  }
0xc: {  	v3 =	vsel vm11, $0x1180, v3;
	v4 =	vsel vm11, $0x2180, v4;
	v5 =	vsel vm11, $0x3180, v5  }
0xd: {  	v0 =	vsel vm10, $0x200, v0;
	v3 =	vsel vm10, $0x1200, v3;
	v4 =	vsel vm10, $0x2200, v4  }
0xe: {  	s3 =	rddreg [dreg:$0x0];
	v5 =	vsel vm10, $0x3200, v5;
	v0 =	vsel vm9, $0x280, v0;
	v3 =	vsel vm9, $0x1280, v3  }
0xf: {  	s8 =	rddreg [dreg:$0x1];
	s2 =	srdreg.scid;
	v4 =	vsel vm9, $0x2280, v4;
	v5 =	vsel vm9, $0x3280, v5;
	v0 =	vsel vm8, $0x300, v0  }
0x10: {  	s0 =	rddreg [dreg:$0x2];
	s1 =	stileid.u32;
	v3 =	vsel vm8, $0x1300, v3;
	v4 =	vsel vm8, $0x2300, v4;
	v5 =	vsel vm8, $0x3300, v5  }
0x11: {  	s12 =	simm.s32 $0x6000;
	s13 =	simm.s32 $0xA000;
	s14 =	simm.s32 $0xE000;
	v0 =	vsel vm7, $0x380, v0;
	v3 =	vsel vm7, $0x1380, v3;
	v4 =	vsel vm7, $0x2380, v4  }
0x12: {  	s15 =	simm.s32 $0x1;
	s16 =	simm.s32 $0x2;
	s17 =	simm.s32 $0x3;
	v5 =	vsel vm7, $0x3380, v5;
	v0 =	vsel vm6, $0x800, v0;
	v3 =	vsel vm6, $0x1800, v3  }
0x13: {  	s18 =	simm.s32 $0x4;
	s19 =	simm.s32 $0x0;
	s9 =	sand.u32 $0x1, s2;
	v4 =	vsel vm6, $0x2800, v4;
	v5 =	vsel vm6, $0x3800, v5;
	v0 =	vsel vm5, $0x880, v0  }
0x14: {  	s2 =	simm.s32 $0x0;
	s4 =	sshll.u32 s1, $0xE;
	s11 =	sshll.u32 s1, $0x13;
	v3 =	vsel vm5, $0x1880, v3;
	v4 =	vsel vm5, $0x2880, v4;
	v5 =	vsel vm5, $0x3880, v5  }
0x15: {  	s5 =	sshll.u32 s9, $0xD;
	[smem:$0x7FF] =	sst s2;
	s6 =	ssub.s32 $0x2, s9;
	v0 =	vsel vm4, $0x900, v0;
	v3 =	vsel vm4, $0x1900, v3;
	v4 =	vsel vm4, $0x2900, v4  }
0x16: {  	s11 =	sadd.s32 s11, s8;
	s9 =	sshll.u32 s9, $0x12;
	s4 =	sor.u32 s5, s4;
	v5 =	vsel vm4, $0x3900, v5;
	v0 =	vsel vm3, $0x980, v0;
	v3 =	vsel vm3, $0x1980, v3  }
0x17: {  	_ =	strace $0x80000047;
	s31 =	sshrl.u32 s6, $0x1;
	s9 =	sadd.s32 s9, s11;
	v4 =	vsel vm3, $0x2980, v4;
	v5 =	vsel vm3, $0x3980, v5;
	v0 =	vsel vm2, $0xA00, v0  }
0x18: {  	s11 =	simm.s32 $0x2000;
	s5 =	sshrl.u32 s4, $0x3;
	s4 =	sshll.u32 s4, $0x5;
	v3 =	vsel vm2, $0x1A00, v3;
	v4 =	vsel vm2, $0x2A00, v4;
	v5 =	vsel vm2, $0x3A00, v5  }
0x19: {  	s10 =	ssub.s32 s6, s31;
	s3 =	sadd.s32 s5, s3;
	s4 =	sadd.s32 s8, s4;
	v1 =	vsel vm1, $0xA80, v0;
	v0 =	vimm.f32 $0.0e+00;
	v3 =	vsel vm1, $0x1A80, v3  }
0x1a: {  	s8 =	smax.u32 s10, $0x1;
	s10 =	simm.s32 $0x5;
	s3 =	sadd.s32 $0x400, s3;
	v4 =	vsel vm1, $0x2A80, v4;
	v5 =	vsel vm1, $0x3A80, v5;
	v1 =	vsel vm0, $0xB00, v1  }
0x1b: {  	s5 =	sadd.s32 $0x800, s4;
	s6 =	sadd.s32 $0x1000, s4;
	s7 =	sadd.s32 $0x1800, s4;
	v3 =	vsel vm0, $0x1B00, v3;
	v4 =	vsel vm0, $0x2B00, v4;
	v5 =	vsel vm0, $0x3B00, v5  }
.LBB2_1:
0x1c: {  	[tilespmem:s2], [sflag:$0x5] =	stream.linear.gather [hbm4b:s3+s2], $0x2000, $0x38;
	[tilespmem:$0x12000] =	vst v63  }
0x1d: {  	s20 =	sand.u32 $0x3800, s2;
	s21 =	sand.u32 $0x380, s2  }
0x1e: {  	s20 =	sor.u32 s21, s20  }
0x1f: {  	[tilespmem:s20+$0x2470] =	vst v0  }
0x20: {  	[tilespmem:s20+$0x2000] =	vst v0  }
0x21: {  	[tilespmem:s20+$0x2010] =	vst v0  }
0x22: {  	[tilespmem:s20+$0x2020] =	vst v0  }
0x23: {  	[tilespmem:s20+$0x2030] =	vst v0  }
0x24: {  	[tilespmem:s20+$0x2040] =	vst v0  }
0x25: {  	[tilespmem:s20+$0x2050] =	vst v0  }
0x26: {  	[tilespmem:s20+$0x2060] =	vst v0  }
0x27: {  	[tilespmem:s20+$0x2070] =	vst v0  }
0x28: {  	[tilespmem:s20+$0x2400] =	vst v0  }
0x29: {  	[tilespmem:s20+$0x2410] =	vst v0  }
0x2a: {  	[tilespmem:s20+$0x2420] =	vst v0  }
0x2b: {  	[tilespmem:s20+$0x2430] =	vst v0  }
0x2c: {  	s22 =	simm.s32 $0x100;
	s21 =	simm.s32 $0x80;
	[tilespmem:s20+$0x2440] =	vst v0  }
0x2d: {  	s23 =	sand.u32 $0x3800, s22;
	s22 =	simm.s32 $0x200;
	s24 =	sand.u32 $0x380, s21;
	[tilespmem:s20+$0x2450] =	vst v0  }
.LBB2_2:
0x2e: {  	p0 =	sne.s32 s22, $0x3F00;
	[tilespmem:s20+$0x2460] =	vst v0;
	s20 =	sor.u32 s24, s23  }
0x2f: {  	[tilespmem:s20+$0x2470] =	vst v0  }
0x30: {  	[tilespmem:s20+$0x2000] =	vst v0  }
0x31: {  	[tilespmem:s20+$0x2010] =	vst v0  }
0x32: {  	[tilespmem:s20+$0x2020] =	vst v0  }
0x33: {  	[tilespmem:s20+$0x2030] =	vst v0  }
0x34: {  	[tilespmem:s20+$0x2040] =	vst v0  }
0x35: {  	[tilespmem:s20+$0x2050] =	vst v0  }
0x36: {  	[tilespmem:s20+$0x2060] =	vst v0  }
0x37: {  	[tilespmem:s20+$0x2070] =	vst v0  }
0x38: {  	[tilespmem:s20+$0x2400] =	vst v0  }
.Ltmp0:
0x39: {  	[tilespmem:s20+$0x2410] =	vst v0;
	(pc) =	sbr.rel @p0 .LBB2_2-.Ltmp0, $4  }
0x3a: {  	[tilespmem:s20+$0x2420] =	vst v0  }
0x3b: {  	[tilespmem:s20+$0x2430] =	vst v0  }
0x3c: {  	s21 =	sadd.s32 $0x80, s21;
	[tilespmem:s20+$0x2440] =	vst v0  }
0x3d: {  	s23 =	sand.u32 $0x3800, s22;
	s22 =	sadd.s32 $0x100, s22;
	s24 =	sand.u32 $0x380, s21;
	[tilespmem:s20+$0x2450] =	vst v0  }
0x3e: {  	s22 =	sor.u32 s24, s23;
	[tilespmem:s20+$0x2460] =	vst v0  }
0x3f: {  	[tilespmem:s22+$0x2470] =	vst v0  }
0x40: {  	[tilespmem:s22+$0x2000] =	vst v0  }
0x41: {  	[tilespmem:s22+$0x2010] =	vst v0  }
0x42: {  	[tilespmem:s22+$0x2020] =	vst v0  }
0x43: {  	[tilespmem:s22+$0x2030] =	vst v0  }
0x44: {  	[tilespmem:s22+$0x2040] =	vst v0  }
0x45: {  	[tilespmem:s22+$0x2050] =	vst v0  }
0x46: {  	[tilespmem:s22+$0x2060] =	vst v0  }
0x47: {  	[tilespmem:s22+$0x2070] =	vst v0  }
0x48: {  	[tilespmem:s22+$0x2400] =	vst v0  }
0x49: {  	p1 =	por $0x1, $0x1;
	[tilespmem:s22+$0x2410] =	vst v0  }
.Ltmp1:
0x4a: {  	[tilespmem:s22+$0x2420] =	vst v0;
	(pc) =	sbr.rel @!p1 .LBB2_6-.Ltmp1, $4  }
0x4b: {  	[tilespmem:s22+$0x2430] =	vst v0  }
0x4c: {  	s21 =	simm.s32 $0x0;
	p0 =	por $0x0, $0x0;
	[tilespmem:s22+$0x2440] =	vst v0  }
0x4d: {  	p2 =	por $0x0, $0x0;
	[tilespmem:s22+$0x2450] =	vst v0;
	s20 =	sand.u32 $0x3800, s21;
	s21 =	sand.u32 $0x380, s21  }
0x4e: {  	[tilespmem:s22+$0x2460] =	vst v0;
	s22 =	simm.s32 $0x100;
	s26 =	smov.u32 s20;
	s28 =	smov.u32 s21  }
0x4f: {  	s23 =	sor.u32 s21, s20  }
0x50: {  	[tilespmem:s23+$0x6470] =	vst v0  }
0x51: {  	[tilespmem:s23+$0x6000] =	vst v0  }
0x52: {  	[tilespmem:s23+$0x6010] =	vst v0  }
0x53: {  	[tilespmem:s23+$0x6020] =	vst v0  }
0x54: {  	[tilespmem:s23+$0x6030] =	vst v0  }
0x55: {  	[tilespmem:s23+$0x6040] =	vst v0  }
0x56: {  	[tilespmem:s23+$0x6050] =	vst v0  }
0x57: {  	[tilespmem:s23+$0x6060] =	vst v0  }
0x58: {  	[tilespmem:s23+$0x6070] =	vst v0  }
0x59: {  	p3 =	por $0x1, $0x1;
	[tilespmem:s23+$0x6400] =	vst v0  }
.Ltmp2:
0x5a: {  	[tilespmem:s23+$0x6410] =	vst v0;
	(pc) =	sbr.rel @!p3 .LBB2_6-.Ltmp2, $4  }
0x5b: {  	[tilespmem:s23+$0x6420] =	vst v0  }
0x5c: {  	[tilespmem:s23+$0x6430] =	vst v0  }
0x5d: {  	s24 =	simm.s32 $0x80;
	s26 =	sand.u32 $0x3800, s22;
	[tilespmem:s23+$0x6440] =	vst v0  }
0x5e: {  	s25 =	simm.s32 $0x200;
	p2 =	por $0x1, $0x1;
	s28 =	sand.u32 $0x380, s24;
	[tilespmem:s23+$0x6450] =	vst v0  }
.LBB2_5:
0x5f: {  	p3 =	sne.s32 s25, $0x3F00;
	[tilespmem:s23+$0x6460] =	vst v0;
	s23 =	sor.u32 s28, s26  }
0x60: {  	[tilespmem:s23+$0x6470] =	vst v0  }
0x61: {  	[tilespmem:s23+$0x6000] =	vst v0  }
0x62: {  	[tilespmem:s23+$0x6010] =	vst v0  }
0x63: {  	[tilespmem:s23+$0x6020] =	vst v0  }
0x64: {  	[tilespmem:s23+$0x6030] =	vst v0  }
0x65: {  	[tilespmem:s23+$0x6040] =	vst v0  }
0x66: {  	[tilespmem:s23+$0x6050] =	vst v0  }
0x67: {  	[tilespmem:s23+$0x6060] =	vst v0  }
0x68: {  	[tilespmem:s23+$0x6070] =	vst v0  }
0x69: {  	[tilespmem:s23+$0x6400] =	vst v0  }
.Ltmp3:
0x6a: {  	[tilespmem:s23+$0x6410] =	vst v0;
	(pc) =	sbr.rel @p3 .LBB2_5-.Ltmp3, $4  }
0x6b: {  	[tilespmem:s23+$0x6420] =	vst v0  }
0x6c: {  	[tilespmem:s23+$0x6430] =	vst v0  }
0x6d: {  	s24 =	sadd.s32 $0x80, s24;
	[tilespmem:s23+$0x6440] =	vst v0  }
0x6e: {  	s26 =	sand.u32 $0x3800, s25;
	s25 =	sadd.s32 $0x100, s25;
	s28 =	sand.u32 $0x380, s24;
	[tilespmem:s23+$0x6450] =	vst v0  }
.LBB2_6:
0x6f: {  	s24 =	sor.u32 s28, s26;
	[tilespmem:s23+$0x6460] =	vst @p2 v0  }
0x70: {  	[tilespmem:s24+$0x6470] =	vst v0  }
0x71: {  	[tilespmem:s24+$0x6000] =	vst v0  }
0x72: {  	[tilespmem:s24+$0x6010] =	vst v0  }
0x73: {  	[tilespmem:s24+$0x6020] =	vst v0  }
0x74: {  	[tilespmem:s24+$0x6030] =	vst v0  }
0x75: {  	[tilespmem:s24+$0x6040] =	vst v0  }
0x76: {  	[tilespmem:s24+$0x6050] =	vst v0  }
0x77: {  	[tilespmem:s24+$0x6060] =	vst v0  }
0x78: {  	[tilespmem:s24+$0x6070] =	vst v0  }
0x79: {  	[tilespmem:s24+$0x6400] =	vst v0  }
0x7a: {  	[tilespmem:s24+$0x6410] =	vst v0  }
.Ltmp4:
0x7b: {  	[tilespmem:s24+$0x6420] =	vst v0;
	(pc) =	sbr.rel @!p1 .LBB2_7-.Ltmp4, $4  }
0x7c: {  	[tilespmem:s24+$0x6430] =	vst v0  }
0x7d: {  	[tilespmem:s24+$0x6440] =	vst v0  }
0x7e: {  	[tilespmem:s24+$0x6450] =	vst v0  }
0x7f: {  	[tilespmem:s24+$0x6460] =	vst v0  }
0x80: {  	s23 =	sor.u32 s21, s20  }
0x81: {  	[tilespmem:s23+$0xA470] =	vst v0  }
0x82: {  	[tilespmem:s23+$0xA000] =	vst v0  }
0x83: {  	[tilespmem:s23+$0xA010] =	vst v0  }
0x84: {  	[tilespmem:s23+$0xA020] =	vst v0  }
0x85: {  	[tilespmem:s23+$0xA030] =	vst v0  }
0x86: {  	[tilespmem:s23+$0xA040] =	vst v0  }
0x87: {  	[tilespmem:s23+$0xA050] =	vst v0  }
0x88: {  	[tilespmem:s23+$0xA060] =	vst v0  }
0x89: {  	[tilespmem:s23+$0xA070] =	vst v0  }
0x8a: {  	p1 =	por $0x1, $0x1;
	[tilespmem:s23+$0xA400] =	vst v0  }
.Ltmp5:
0x8b: {  	[tilespmem:s23+$0xA410] =	vst v0;
	(pc) =	sbr.rel @!p1 .LBB2_10-.Ltmp5, $4  }
0x8c: {  	[tilespmem:s23+$0xA420] =	vst v0  }
0x8d: {  	[tilespmem:s23+$0xA430] =	vst v0  }
0x8e: {  	s24 =	simm.s32 $0x80;
	s20 =	sand.u32 $0x3800, s22;
	[tilespmem:s23+$0xA440] =	vst v0  }
0x8f: {  	s22 =	simm.s32 $0x200;
	p0 =	por $0x1, $0x1;
	s21 =	sand.u32 $0x380, s24;
	[tilespmem:s23+$0xA450] =	vst v0  }
.LBB2_9:
0x90: {  	p1 =	sne.s32 s22, $0x3F00;
	[tilespmem:s23+$0xA460] =	vst v0;
	s23 =	sor.u32 s21, s20  }
0x91: {  	[tilespmem:s23+$0xA470] =	vst v0  }
0x92: {  	[tilespmem:s23+$0xA000] =	vst v0  }
0x93: {  	[tilespmem:s23+$0xA010] =	vst v0  }
0x94: {  	[tilespmem:s23+$0xA020] =	vst v0  }
0x95: {  	[tilespmem:s23+$0xA030] =	vst v0  }
0x96: {  	[tilespmem:s23+$0xA040] =	vst v0  }
0x97: {  	[tilespmem:s23+$0xA050] =	vst v0  }
0x98: {  	[tilespmem:s23+$0xA060] =	vst v0  }
0x99: {  	[tilespmem:s23+$0xA070] =	vst v0  }
0x9a: {  	[tilespmem:s23+$0xA400] =	vst v0  }
.Ltmp6:
0x9b: {  	[tilespmem:s23+$0xA410] =	vst v0;
	(pc) =	sbr.rel @p1 .LBB2_9-.Ltmp6, $4  }
0x9c: {  	[tilespmem:s23+$0xA420] =	vst v0  }
0x9d: {  	[tilespmem:s23+$0xA430] =	vst v0  }
0x9e: {  	s24 =	sadd.s32 $0x80, s24;
	[tilespmem:s23+$0xA440] =	vst v0  }
0x9f: {  	s20 =	sand.u32 $0x3800, s22;
	s22 =	sadd.s32 $0x100, s22;
	s21 =	sand.u32 $0x380, s24;
	[tilespmem:s23+$0xA450] =	vst v0  }
.LBB2_10:
0xa0: {  	s20 =	sor.u32 s21, s20;
	[tilespmem:s23+$0xA460] =	vst @p0 v0  }
0xa1: {  	[tilespmem:s20+$0xA470] =	vst v0  }
0xa2: {  	[tilespmem:s20+$0xA000] =	vst v0  }
0xa3: {  	[tilespmem:s20+$0xA010] =	vst v0  }
0xa4: {  	[tilespmem:s20+$0xA020] =	vst v0  }
0xa5: {  	[tilespmem:s20+$0xA030] =	vst v0  }
0xa6: {  	[tilespmem:s20+$0xA040] =	vst v0  }
0xa7: {  	[tilespmem:s20+$0xA050] =	vst v0  }
0xa8: {  	[tilespmem:s20+$0xA060] =	vst v0  }
0xa9: {  	[tilespmem:s20+$0xA070] =	vst v0  }
0xaa: {  	[tilespmem:s20+$0xA400] =	vst v0  }
0xab: {  	[tilespmem:s20+$0xA410] =	vst v0  }
0xac: {  	[tilespmem:s20+$0xA420] =	vst v0  }
0xad: {  	[tilespmem:s20+$0xA430] =	vst v0  }
0xae: {  	s30 =	simm.s32 $0x0;
	[tilespmem:s20+$0xA440] =	vst v0  }
0xaf: {  	[tilespmem:s20+$0xA450] =	vst v0;
	s22 =	sand.u32 $0x3800, s30;
	s21 =	sand.u32 $0x380, s30  }
0xb0: {  	[tilespmem:s20+$0xA460] =	vst v0;
	s20 =	sor.u32 s21, s22  }
0xb1: {  	[tilespmem:s20+$0xE470] =	vst v0  }
0xb2: {  	[tilespmem:s20+$0xE000] =	vst v0  }
0xb3: {  	[tilespmem:s20+$0xE010] =	vst v0  }
0xb4: {  	[tilespmem:s20+$0xE020] =	vst v0  }
0xb5: {  	[tilespmem:s20+$0xE030] =	vst v0  }
0xb6: {  	[tilespmem:s20+$0xE040] =	vst v0  }
0xb7: {  	[tilespmem:s20+$0xE050] =	vst v0  }
0xb8: {  	[tilespmem:s20+$0xE060] =	vst v0  }
0xb9: {  	[tilespmem:s20+$0xE070] =	vst v0  }
0xba: {  	[tilespmem:s20+$0xE400] =	vst v0  }
0xbb: {  	[tilespmem:s20+$0xE410] =	vst v0  }
0xbc: {  	[tilespmem:s20+$0xE420] =	vst v0  }
0xbd: {  	[tilespmem:s20+$0xE430] =	vst v0  }
0xbe: {  	s31 =	simm.s32 $0x100;
	s21 =	simm.s32 $0x80;
	[tilespmem:s20+$0xE440] =	vst v0  }
0xbf: {  	s23 =	sand.u32 $0x3800, s31;
	s22 =	simm.s32 $0x200;
	s24 =	sand.u32 $0x380, s21;
	[tilespmem:s20+$0xE450] =	vst v0  }
.LBB2_11:
0xc0: {  	p0 =	sne.s32 s22, $0x3F00;
	[tilespmem:s20+$0xE460] =	vst v0;
	s20 =	sor.u32 s24, s23  }
0xc1: {  	[tilespmem:s20+$0xE470] =	vst v0  }
0xc2: {  	[tilespmem:s20+$0xE000] =	vst v0  }
0xc3: {  	[tilespmem:s20+$0xE010] =	vst v0  }
0xc4: {  	[tilespmem:s20+$0xE020] =	vst v0  }
0xc5: {  	[tilespmem:s20+$0xE030] =	vst v0  }
0xc6: {  	[tilespmem:s20+$0xE040] =	vst v0  }
0xc7: {  	[tilespmem:s20+$0xE050] =	vst v0  }
0xc8: {  	[tilespmem:s20+$0xE060] =	vst v0  }
0xc9: {  	[tilespmem:s20+$0xE070] =	vst v0  }
0xca: {  	[tilespmem:s20+$0xE400] =	vst v0  }
.Ltmp7:
0xcb: {  	[tilespmem:s20+$0xE410] =	vst v0;
	(pc) =	sbr.rel @p0 .LBB2_11-.Ltmp7, $4  }
0xcc: {  	[tilespmem:s20+$0xE420] =	vst v0  }
0xcd: {  	[tilespmem:s20+$0xE430] =	vst v0  }
0xce: {  	s21 =	sadd.s32 $0x80, s21;
	[tilespmem:s20+$0xE440] =	vst v0  }
0xcf: {  	s23 =	sand.u32 $0x3800, s22;
	s22 =	sadd.s32 $0x100, s22;
	s24 =	sand.u32 $0x380, s21;
	[tilespmem:s20+$0xE450] =	vst v0  }
0xd0: {  	s21 =	sor.u32 s24, s23;
	[tilespmem:s20+$0xE460] =	vst v0  }
0xd1: {  	[tilespmem:s21+$0xE470] =	vst v0  }
0xd2: {  	[tilespmem:s21+$0xE000] =	vst v0  }
0xd3: {  	[tilespmem:s21+$0xE010] =	vst v0  }
0xd4: {  	[tilespmem:s21+$0xE020] =	vst v0  }
0xd5: {  	[tilespmem:s21+$0xE030] =	vst v0  }
0xd6: {  	[tilespmem:s21+$0xE040] =	vst v0  }
0xd7: {  	[tilespmem:s21+$0xE050] =	vst v0  }
0xd8: {  	[tilespmem:s21+$0xE060] =	vst v0  }
0xd9: {  	[tilespmem:s21+$0xE070] =	vst v0  }
0xda: {  	[tilespmem:s21+$0xE400] =	vst v0  }
0xdb: {  	[tilespmem:s21+$0xE410] =	vst v0  }
0xdc: {  	[tilespmem:s21+$0xE420] =	vst v0  }
0xdd: {  	[tilespmem:s21+$0xE430] =	vst v0  }
0xde: {  	[tilespmem:s21+$0xE440] =	vst v0  }
0xdf: {  	[tilespmem:s21+$0xE450] =	vst v0  }
0xe0: {  	[tilespmem:s21+$0xE460] =	vst v0  }
0xe1: {  	_ =	swait.ge [sflag:s10], $0x2000  }
0xe2: {  	[sflag:s10] =	ssyncset.done $0x0  }
0xe3: {  	[sflag:s10] =	ssyncadd.s32 $0xFFFFE000  }
0xe4: {  	v6 =	vld [tilespmem:$0x0];
	_ =	sdelay $0x4  }
0xe5: {  	v7 =	vshll.u32 v6, $0x3  }
0xe6: {  	v6 =	vand.u32 $0x7F, v6;
	v7 =	vand.u32 $0xFFFFFC00, v7  }
0xe7: {  	v6 =	vor.u32 v6, v7  }
0xe8: {  	v6 =	vadd.s32 v1, v6;
	_ =	sdelay $0x4  }
0xe9: {  	[tilespmem:v6+s11+$0x0] =	vst.idx.msk $0xffff, v2  }
0xea: {  	v6 =	vld [tilespmem:$0x10];
	_ =	sdelay $0x4  }
0xeb: {  	v7 =	vshll.u32 v6, $0x3  }
0xec: {  	v6 =	vand.u32 $0x7F, v6;
	v7 =	vand.u32 $0xFFFFFC00, v7  }
0xed: {  	v6 =	vor.u32 v6, v7  }
0xee: {  	v6 =	vadd.s32 v3, v6;
	_ =	sdelay $0x4  }
0xef: {  	[tilespmem:v6+s11+$0x0] =	vst.idx.msk $0xffff, v2  }
0xf0: {  	v6 =	vld [tilespmem:$0x20];
	_ =	sdelay $0x4  }
0xf1: {  	v7 =	vshll.u32 v6, $0x3  }
0xf2: {  	v6 =	vand.u32 $0x7F, v6;
	v7 =	vand.u32 $0xFFFFFC00, v7  }
0xf3: {  	v6 =	vor.u32 v6, v7  }
0xf4: {  	v6 =	vadd.s32 v4, v6;
	_ =	sdelay $0x4  }
0xf5: {  	[tilespmem:v6+s11+$0x0] =	vst.idx.msk $0xffff, v2  }
0xf6: {  	v6 =	vld [tilespmem:$0x30];
	_ =	sdelay $0x4  }
0xf7: {  	v7 =	vshll.u32 v6, $0x3  }
0xf8: {  	v6 =	vand.u32 $0x7F, v6;
	v7 =	vand.u32 $0xFFFFFC00, v7  }
0xf9: {  	v6 =	vor.u32 v6, v7  }
0xfa: {  	v6 =	vadd.s32 v5, v6;
	_ =	sdelay $0x4  }
0xfb: {  	s20 =	simm.s32 $0x0;
	[tilespmem:v6+s11+$0x0] =	vst.idx.msk $0xffff, v2  }
0xfc: {  	[hbm4b:s4+s20] =	stream.linear.scatter [tilespmem:s11], [sflag:$0x1], $0x4000, $0x38;
	[tilespmem:$0x12000] =	vst v63  }
0xfd: {  	v6 =	vld [tilespmem:$0x40];
	_ =	sdelay $0x4  }
0xfe: {  	v7 =	vshll.u32 v6, $0x3  }
0xff: {  	v6 =	vand.u32 $0x7F, v6;
	v7 =	vand.u32 $0xFFFFFC00, v7  }
0x100: {  	v6 =	vor.u32 v6, v7  }
0x101: {  	v6 =	vadd.s32 v1, v6;
	_ =	sdelay $0x4  }
0x102: {  	[tilespmem:v6+s12+$0x0] =	vst.idx.msk $0xffff, v2  }
0x103: {  	v6 =	vld [tilespmem:$0x50];
	_ =	sdelay $0x4  }
0x104: {  	v7 =	vshll.u32 v6, $0x3  }
0x105: {  	v6 =	vand.u32 $0x7F, v6;
	v7 =	vand.u32 $0xFFFFFC00, v7  }
0x106: {  	v6 =	vor.u32 v6, v7  }
0x107: {  	v6 =	vadd.s32 v3, v6;
	_ =	sdelay $0x4  }
0x108: {  	[tilespmem:v6+s12+$0x0] =	vst.idx.msk $0xffff, v2  }
0x109: {  	v6 =	vld [tilespmem:$0x60];
	_ =	sdelay $0x4  }
0x10a: {  	v7 =	vshll.u32 v6, $0x3  }
0x10b: {  	v6 =	vand.u32 $0x7F, v6;
	v7 =	vand.u32 $0xFFFFFC00, v7  }
0x10c: {  	v6 =	vor.u32 v6, v7  }
0x10d: {  	v6 =	vadd.s32 v4, v6;
	_ =	sdelay $0x4  }
0x10e: {  	[tilespmem:v6+s12+$0x0] =	vst.idx.msk $0xffff, v2  }
0x10f: {  	v6 =	vld [tilespmem:$0x70];
	_ =	sdelay $0x4  }
0x110: {  	v7 =	vshll.u32 v6, $0x3  }
0x111: {  	v6 =	vand.u32 $0x7F, v6;
	v7 =	vand.u32 $0xFFFFFC00, v7  }
0x112: {  	v6 =	vor.u32 v6, v7  }
0x113: {  	v6 =	vadd.s32 v5, v6;
	_ =	sdelay $0x4  }
0x114: {  	[tilespmem:v6+s12+$0x0] =	vst.idx.msk $0xffff, v2  }
0x115: {  	[hbm4b:s5+s20] =	stream.linear.scatter [tilespmem:s12], [sflag:$0x2], $0x4000, $0x38;
	[tilespmem:$0x12000] =	vst v63  }
0x116: {  	v6 =	vld [tilespmem:$0x80];
	_ =	sdelay $0x4  }
0x117: {  	v7 =	vshll.u32 v6, $0x3  }
0x118: {  	v6 =	vand.u32 $0x7F, v6;
	v7 =	vand.u32 $0xFFFFFC00, v7  }
0x119: {  	v6 =	vor.u32 v6, v7  }
0x11a: {  	v6 =	vadd.s32 v1, v6;
	_ =	sdelay $0x4  }
0x11b: {  	[tilespmem:v6+s13+$0x0] =	vst.idx.msk $0xffff, v2  }
0x11c: {  	v6 =	vld [tilespmem:$0x90];
	_ =	sdelay $0x4  }
0x11d: {  	v7 =	vshll.u32 v6, $0x3  }
0x11e: {  	v6 =	vand.u32 $0x7F, v6;
	v7 =	vand.u32 $0xFFFFFC00, v7  }
0x11f: {  	v6 =	vor.u32 v6, v7  }
0x120: {  	v6 =	vadd.s32 v3, v6;
	_ =	sdelay $0x4  }
0x121: {  	[tilespmem:v6+s13+$0x0] =	vst.idx.msk $0xffff, v2  }
0x122: {  	v6 =	vld [tilespmem:$0xA0];
	_ =	sdelay $0x4  }
0x123: {  	v7 =	vshll.u32 v6, $0x3  }
0x124: {  	v6 =	vand.u32 $0x7F, v6;
	v7 =	vand.u32 $0xFFFFFC00, v7  }
0x125: {  	v6 =	vor.u32 v6, v7  }
0x126: {  	v6 =	vadd.s32 v4, v6;
	_ =	sdelay $0x4  }
0x127: {  	[tilespmem:v6+s13+$0x0] =	vst.idx.msk $0xffff, v2  }
0x128: {  	v6 =	vld [tilespmem:$0xB0];
	_ =	sdelay $0x4  }
0x129: {  	v7 =	vshll.u32 v6, $0x3  }
0x12a: {  	v6 =	vand.u32 $0x7F, v6;
	v7 =	vand.u32 $0xFFFFFC00, v7  }
0x12b: {  	v6 =	vor.u32 v6, v7  }
0x12c: {  	v6 =	vadd.s32 v5, v6;
	_ =	sdelay $0x4  }
0x12d: {  	[tilespmem:v6+s13+$0x0] =	vst.idx.msk $0xffff, v2  }
0x12e: {  	[hbm4b:s6+s20] =	stream.linear.scatter [tilespmem:s13], [sflag:$0x3], $0x4000, $0x38;
	[tilespmem:$0x12000] =	vst v63  }
0x12f: {  	v6 =	vld [tilespmem:$0xC0];
	_ =	sdelay $0x4  }
0x130: {  	v7 =	vshll.u32 v6, $0x3  }
0x131: {  	v6 =	vand.u32 $0x7F, v6;
	v7 =	vand.u32 $0xFFFFFC00, v7  }
0x132: {  	v6 =	vor.u32 v6, v7  }
0x133: {  	v6 =	vadd.s32 v1, v6;
	_ =	sdelay $0x4  }
0x134: {  	[tilespmem:v6+s14+$0x0] =	vst.idx.msk $0xffff, v2  }
0x135: {  	v6 =	vld [tilespmem:$0xD0];
	_ =	sdelay $0x4  }
0x136: {  	v7 =	vshll.u32 v6, $0x3  }
0x137: {  	v6 =	vand.u32 $0x7F, v6;
	v7 =	vand.u32 $0xFFFFFC00, v7  }
0x138: {  	v6 =	vor.u32 v6, v7  }
0x139: {  	v6 =	vadd.s32 v3, v6;
	_ =	sdelay $0x4  }
0x13a: {  	[tilespmem:v6+s14+$0x0] =	vst.idx.msk $0xffff, v2  }
0x13b: {  	v6 =	vld [tilespmem:$0xE0];
	_ =	sdelay $0x4  }
0x13c: {  	v7 =	vshll.u32 v6, $0x3  }
0x13d: {  	v6 =	vand.u32 $0x7F, v6;
	v7 =	vand.u32 $0xFFFFFC00, v7  }
0x13e: {  	v6 =	vor.u32 v6, v7  }
0x13f: {  	v6 =	vadd.s32 v4, v6;
	_ =	sdelay $0x4  }
0x140: {  	[tilespmem:v6+s14+$0x0] =	vst.idx.msk $0xffff, v2  }
0x141: {  	v6 =	vld [tilespmem:$0xF0];
	_ =	sdelay $0x4  }
0x142: {  	v7 =	vshll.u32 v6, $0x3  }
0x143: {  	v6 =	vand.u32 $0x7F, v6;
	v7 =	vand.u32 $0xFFFFFC00, v7  }
0x144: {  	v6 =	vor.u32 v6, v7  }
0x145: {  	v6 =	vadd.s32 v5, v6;
	_ =	sdelay $0x4  }
0x146: {  	s21 =	simm.s32 $0x100;
	[tilespmem:v6+s14+$0x0] =	vst.idx.msk $0xffff, v2  }
0x147: {  	[hbm4b:s7+s20] =	stream.linear.scatter [tilespmem:s14], [sflag:$0x4], $0x4000, $0x38;
	[tilespmem:$0x12000] =	vst v63  }
.LBB2_13:
0x148: {  	_ =	swait.ge [sflag:s15], $0x4000  }
0x149: {  	[sflag:s15] =	ssyncset.done $0x0  }
0x14a: {  	[sflag:s15] =	ssyncadd.s32 $0xFFFFC000  }
0x14b: {  	v6 =	vld [tilespmem:s21+$0xFFFFFF00];
	_ =	sdelay $0x4  }
0x14c: {  	v7 =	vshll.u32 v6, $0x3  }
0x14d: {  	v6 =	vand.u32 $0x7F, v6;
	v7 =	vand.u32 $0xFFFFFC00, v7  }
0x14e: {  	v6 =	vor.u32 v6, v7  }
0x14f: {  	v6 =	vadd.s32 v1, v6;
	_ =	sdelay $0x4  }
0x150: {  	[tilespmem:v6+s11+$0x0] =	vst.idx.msk $0xffff, v0  }
0x151: {  	v6 =	vld [tilespmem:s21+$0xFFFFFF10];
	_ =	sdelay $0x4  }
0x152: {  	v7 =	vshll.u32 v6, $0x3  }
0x153: {  	v6 =	vand.u32 $0x7F, v6;
	v7 =	vand.u32 $0xFFFFFC00, v7  }
0x154: {  	v6 =	vor.u32 v6, v7  }
0x155: {  	v6 =	vadd.s32 v3, v6;
	_ =	sdelay $0x4  }
0x156: {  	[tilespmem:v6+s11+$0x0] =	vst.idx.msk $0xffff, v0  }
0x157: {  	v6 =	vld [tilespmem:s21+$0xFFFFFF20];
	_ =	sdelay $0x4  }
0x158: {  	v7 =	vshll.u32 v6, $0x3  }
0x159: {  	v6 =	vand.u32 $0x7F, v6;
	v7 =	vand.u32 $0xFFFFFC00, v7  }
0x15a: {  	v6 =	vor.u32 v6, v7  }
0x15b: {  	v6 =	vadd.s32 v4, v6;
	_ =	sdelay $0x4  }
0x15c: {  	[tilespmem:v6+s11+$0x0] =	vst.idx.msk $0xffff, v0  }
0x15d: {  	v6 =	vld [tilespmem:s21+$0xFFFFFF30];
	_ =	sdelay $0x4  }
0x15e: {  	v7 =	vshll.u32 v6, $0x3  }
0x15f: {  	v6 =	vand.u32 $0x7F, v6;
	v7 =	vand.u32 $0xFFFFFC00, v7  }
0x160: {  	v6 =	vor.u32 v6, v7  }
0x161: {  	v6 =	vadd.s32 v5, v6;
	_ =	sdelay $0x4  }
0x162: {  	[tilespmem:v6+s11+$0x0] =	vst.idx.msk $0xffff, v0  }
0x163: {  	v6 =	vld [tilespmem:s21+$0x0];
	_ =	sdelay $0x4  }
0x164: {  	v7 =	vshll.u32 v6, $0x3  }
0x165: {  	v6 =	vand.u32 $0x7F, v6;
	v7 =	vand.u32 $0xFFFFFC00, v7  }
0x166: {  	v6 =	vor.u32 v6, v7  }
0x167: {  	v6 =	vadd.s32 v1, v6;
	_ =	sdelay $0x4  }
0x168: {  	[tilespmem:v6+s11+$0x0] =	vst.idx.msk $0xffff, v2  }
0x169: {  	v6 =	vld [tilespmem:s21+$0x10];
	_ =	sdelay $0x4  }
0x16a: {  	v7 =	vshll.u32 v6, $0x3  }
0x16b: {  	v6 =	vand.u32 $0x7F, v6;
	v7 =	vand.u32 $0xFFFFFC00, v7  }
0x16c: {  	v6 =	vor.u32 v6, v7  }
0x16d: {  	v6 =	vadd.s32 v3, v6;
	_ =	sdelay $0x4  }
0x16e: {  	[tilespmem:v6+s11+$0x0] =	vst.idx.msk $0xffff, v2  }
0x16f: {  	v6 =	vld [tilespmem:s21+$0x20];
	_ =	sdelay $0x4  }
0x170: {  	v7 =	vshll.u32 v6, $0x3  }
0x171: {  	v6 =	vand.u32 $0x7F, v6;
	v7 =	vand.u32 $0xFFFFFC00, v7  }
0x172: {  	v6 =	vor.u32 v6, v7  }
0x173: {  	v6 =	vadd.s32 v4, v6;
	_ =	sdelay $0x4  }
0x174: {  	[tilespmem:v6+s11+$0x0] =	vst.idx.msk $0xffff, v2  }
0x175: {  	v6 =	vld [tilespmem:s21+$0x30];
	_ =	sdelay $0x4  }
0x176: {  	v7 =	vshll.u32 v6, $0x3  }
0x177: {  	v6 =	vand.u32 $0x7F, v6;
	v7 =	vand.u32 $0xFFFFFC00, v7  }
0x178: {  	v6 =	vor.u32 v6, v7  }
0x179: {  	v6 =	vadd.s32 v5, v6;
	_ =	sdelay $0x3  }
0x17a: {  	s22 =	sadd.s32 s20, s9  }
0x17b: {  	s23 =	sadd.s32 $0x2000, s22;
	[tilespmem:v6+s11+$0x0] =	vst.idx.msk $0xffff, v2  }
0x17c: {  	[hbm4b:s23+s2] =	stream.linear.scatter [tilespmem:s11], [sflag:$0x1], $0x4000, $0x38;
	[tilespmem:$0x12000] =	vst v63  }
0x17d: {  	_ =	swait.ge [sflag:s16], $0x4000  }
0x17e: {  	[sflag:s16] =	ssyncset.done $0x0  }
0x17f: {  	[sflag:s16] =	ssyncadd.s32 $0xFFFFC000  }
0x180: {  	v6 =	vld [tilespmem:s21+$0xFFFFFF40];
	_ =	sdelay $0x4  }
0x181: {  	v7 =	vshll.u32 v6, $0x3  }
0x182: {  	v6 =	vand.u32 $0x7F, v6;
	v7 =	vand.u32 $0xFFFFFC00, v7  }
0x183: {  	v6 =	vor.u32 v6, v7  }
0x184: {  	v6 =	vadd.s32 v1, v6;
	_ =	sdelay $0x4  }
0x185: {  	[tilespmem:v6+s12+$0x0] =	vst.idx.msk $0xffff, v0  }
0x186: {  	v6 =	vld [tilespmem:s21+$0xFFFFFF50];
	_ =	sdelay $0x4  }
0x187: {  	v7 =	vshll.u32 v6, $0x3  }
0x188: {  	v6 =	vand.u32 $0x7F, v6;
	v7 =	vand.u32 $0xFFFFFC00, v7  }
0x189: {  	v6 =	vor.u32 v6, v7  }
0x18a: {  	v6 =	vadd.s32 v3, v6;
	_ =	sdelay $0x4  }
0x18b: {  	[tilespmem:v6+s12+$0x0] =	vst.idx.msk $0xffff, v0  }
0x18c: {  	v6 =	vld [tilespmem:s21+$0xFFFFFF60];
	_ =	sdelay $0x4  }
0x18d: {  	v7 =	vshll.u32 v6, $0x3  }
0x18e: {  	v6 =	vand.u32 $0x7F, v6;
	v7 =	vand.u32 $0xFFFFFC00, v7  }
0x18f: {  	v6 =	vor.u32 v6, v7  }
0x190: {  	v6 =	vadd.s32 v4, v6;
	_ =	sdelay $0x4  }
0x191: {  	[tilespmem:v6+s12+$0x0] =	vst.idx.msk $0xffff, v0  }
0x192: {  	v6 =	vld [tilespmem:s21+$0xFFFFFF70];
	_ =	sdelay $0x4  }
0x193: {  	v7 =	vshll.u32 v6, $0x3  }
0x194: {  	v6 =	vand.u32 $0x7F, v6;
	v7 =	vand.u32 $0xFFFFFC00, v7  }
0x195: {  	v6 =	vor.u32 v6, v7  }
0x196: {  	v6 =	vadd.s32 v5, v6;
	_ =	sdelay $0x4  }
0x197: {  	[tilespmem:v6+s12+$0x0] =	vst.idx.msk $0xffff, v0  }
0x198: {  	v6 =	vld [tilespmem:s21+$0x40];
	_ =	sdelay $0x4  }
0x199: {  	v7 =	vshll.u32 v6, $0x3  }
0x19a: {  	v6 =	vand.u32 $0x7F, v6;
	v7 =	vand.u32 $0xFFFFFC00, v7  }
0x19b: {  	v6 =	vor.u32 v6, v7  }
0x19c: {  	v6 =	vadd.s32 v1, v6;
	_ =	sdelay $0x4  }
0x19d: {  	[tilespmem:v6+s12+$0x0] =	vst.idx.msk $0xffff, v2  }
0x19e: {  	v6 =	vld [tilespmem:s21+$0x50];
	_ =	sdelay $0x4  }
0x19f: {  	v7 =	vshll.u32 v6, $0x3  }
0x1a0: {  	v6 =	vand.u32 $0x7F, v6;
	v7 =	vand.u32 $0xFFFFFC00, v7  }
0x1a1: {  	v6 =	vor.u32 v6, v7  }
0x1a2: {  	v6 =	vadd.s32 v3, v6;
	_ =	sdelay $0x4  }
0x1a3: {  	[tilespmem:v6+s12+$0x0] =	vst.idx.msk $0xffff, v2  }
0x1a4: {  	v6 =	vld [tilespmem:s21+$0x60];
	_ =	sdelay $0x4  }
0x1a5: {  	v7 =	vshll.u32 v6, $0x3  }
0x1a6: {  	v6 =	vand.u32 $0x7F, v6;
	v7 =	vand.u32 $0xFFFFFC00, v7  }
0x1a7: {  	v6 =	vor.u32 v6, v7  }
0x1a8: {  	v6 =	vadd.s32 v4, v6;
	_ =	sdelay $0x4  }
0x1a9: {  	[tilespmem:v6+s12+$0x0] =	vst.idx.msk $0xffff, v2  }
0x1aa: {  	v6 =	vld [tilespmem:s21+$0x70];
	_ =	sdelay $0x4  }
0x1ab: {  	v7 =	vshll.u32 v6, $0x3  }
0x1ac: {  	v6 =	vand.u32 $0x7F, v6;
	v7 =	vand.u32 $0xFFFFFC00, v7  }
0x1ad: {  	v6 =	vor.u32 v6, v7  }
0x1ae: {  	v6 =	vadd.s32 v5, v6;
	_ =	sdelay $0x4  }
0x1af: {  	s30 =	sadd.s32 $0x2800, s22;
	[tilespmem:v6+s12+$0x0] =	vst.idx.msk $0xffff, v2  }
0x1b0: {  	[hbm4b:s30+s2] =	stream.linear.scatter [tilespmem:s12], [sflag:$0x2], $0x4000, $0x38;
	[tilespmem:$0x12000] =	vst v63  }
0x1b1: {  	_ =	swait.ge [sflag:s17], $0x4000  }
0x1b2: {  	[sflag:s17] =	ssyncset.done $0x0  }
0x1b3: {  	[sflag:s17] =	ssyncadd.s32 $0xFFFFC000  }
0x1b4: {  	v6 =	vld [tilespmem:s21+$0xFFFFFF80];
	_ =	sdelay $0x4  }
0x1b5: {  	v7 =	vshll.u32 v6, $0x3  }
0x1b6: {  	v6 =	vand.u32 $0x7F, v6;
	v7 =	vand.u32 $0xFFFFFC00, v7  }
0x1b7: {  	v6 =	vor.u32 v6, v7  }
0x1b8: {  	v6 =	vadd.s32 v1, v6;
	_ =	sdelay $0x4  }
0x1b9: {  	[tilespmem:v6+s13+$0x0] =	vst.idx.msk $0xffff, v0  }
0x1ba: {  	v6 =	vld [tilespmem:s21+$0xFFFFFF90];
	_ =	sdelay $0x4  }
0x1bb: {  	v7 =	vshll.u32 v6, $0x3  }
0x1bc: {  	v6 =	vand.u32 $0x7F, v6;
	v7 =	vand.u32 $0xFFFFFC00, v7  }
0x1bd: {  	v6 =	vor.u32 v6, v7  }
0x1be: {  	v6 =	vadd.s32 v3, v6;
	_ =	sdelay $0x4  }
0x1bf: {  	[tilespmem:v6+s13+$0x0] =	vst.idx.msk $0xffff, v0  }
0x1c0: {  	v6 =	vld [tilespmem:s21+$0xFFFFFFA0];
	_ =	sdelay $0x4  }
0x1c1: {  	v7 =	vshll.u32 v6, $0x3  }
0x1c2: {  	v6 =	vand.u32 $0x7F, v6;
	v7 =	vand.u32 $0xFFFFFC00, v7  }
0x1c3: {  	v6 =	vor.u32 v6, v7  }
0x1c4: {  	v6 =	vadd.s32 v4, v6;
	_ =	sdelay $0x4  }
0x1c5: {  	[tilespmem:v6+s13+$0x0] =	vst.idx.msk $0xffff, v0  }
0x1c6: {  	v6 =	vld [tilespmem:s21+$0xFFFFFFB0];
	_ =	sdelay $0x4  }
0x1c7: {  	v7 =	vshll.u32 v6, $0x3  }
0x1c8: {  	v6 =	vand.u32 $0x7F, v6;
	v7 =	vand.u32 $0xFFFFFC00, v7  }
0x1c9: {  	v6 =	vor.u32 v6, v7  }
0x1ca: {  	v6 =	vadd.s32 v5, v6;
	_ =	sdelay $0x4  }
0x1cb: {  	[tilespmem:v6+s13+$0x0] =	vst.idx.msk $0xffff, v0  }
0x1cc: {  	v6 =	vld [tilespmem:s21+$0x80];
	_ =	sdelay $0x4  }
0x1cd: {  	v7 =	vshll.u32 v6, $0x3  }
0x1ce: {  	v6 =	vand.u32 $0x7F, v6;
	v7 =	vand.u32 $0xFFFFFC00, v7  }
0x1cf: {  	v6 =	vor.u32 v6, v7  }
0x1d0: {  	v6 =	vadd.s32 v1, v6;
	_ =	sdelay $0x4  }
0x1d1: {  	[tilespmem:v6+s13+$0x0] =	vst.idx.msk $0xffff, v2  }
0x1d2: {  	v6 =	vld [tilespmem:s21+$0x90];
	_ =	sdelay $0x4  }
0x1d3: {  	v7 =	vshll.u32 v6, $0x3  }
0x1d4: {  	v6 =	vand.u32 $0x7F, v6;
	v7 =	vand.u32 $0xFFFFFC00, v7  }
0x1d5: {  	v6 =	vor.u32 v6, v7  }
0x1d6: {  	v6 =	vadd.s32 v3, v6;
	_ =	sdelay $0x4  }
0x1d7: {  	[tilespmem:v6+s13+$0x0] =	vst.idx.msk $0xffff, v2  }
0x1d8: {  	v6 =	vld [tilespmem:s21+$0xA0];
	_ =	sdelay $0x4  }
0x1d9: {  	v7 =	vshll.u32 v6, $0x3  }
0x1da: {  	v6 =	vand.u32 $0x7F, v6;
	v7 =	vand.u32 $0xFFFFFC00, v7  }
0x1db: {  	v6 =	vor.u32 v6, v7  }
0x1dc: {  	v6 =	vadd.s32 v4, v6;
	_ =	sdelay $0x4  }
0x1dd: {  	[tilespmem:v6+s13+$0x0] =	vst.idx.msk $0xffff, v2  }
0x1de: {  	v6 =	vld [tilespmem:s21+$0xB0];
	_ =	sdelay $0x4  }
0x1df: {  	v7 =	vshll.u32 v6, $0x3  }
0x1e0: {  	v6 =	vand.u32 $0x7F, v6;
	v7 =	vand.u32 $0xFFFFFC00, v7  }
0x1e1: {  	v6 =	vor.u32 v6, v7  }
0x1e2: {  	v6 =	vadd.s32 v5, v6;
	_ =	sdelay $0x4  }
0x1e3: {  	s31 =	sadd.s32 $0x3000, s22;
	[tilespmem:v6+s13+$0x0] =	vst.idx.msk $0xffff, v2  }
0x1e4: {  	[hbm4b:s31+s2] =	stream.linear.scatter [tilespmem:s13], [sflag:$0x3], $0x4000, $0x38;
	[tilespmem:$0x12000] =	vst v63  }
0x1e5: {  	_ =	swait.ge [sflag:s18], $0x4000  }
0x1e6: {  	[sflag:s18] =	ssyncset.done $0x0  }
0x1e7: {  	[sflag:s18] =	ssyncadd.s32 $0xFFFFC000  }
0x1e8: {  	v6 =	vld [tilespmem:s21+$0xFFFFFFC0];
	_ =	sdelay $0x4  }
0x1e9: {  	v7 =	vshll.u32 v6, $0x3  }
0x1ea: {  	v6 =	vand.u32 $0x7F, v6;
	v7 =	vand.u32 $0xFFFFFC00, v7  }
0x1eb: {  	v6 =	vor.u32 v6, v7  }
0x1ec: {  	v6 =	vadd.s32 v1, v6;
	_ =	sdelay $0x4  }
0x1ed: {  	[tilespmem:v6+s14+$0x0] =	vst.idx.msk $0xffff, v0  }
0x1ee: {  	v6 =	vld [tilespmem:s21+$0xFFFFFFD0];
	_ =	sdelay $0x4  }
0x1ef: {  	v7 =	vshll.u32 v6, $0x3  }
0x1f0: {  	v6 =	vand.u32 $0x7F, v6;
	v7 =	vand.u32 $0xFFFFFC00, v7  }
0x1f1: {  	v6 =	vor.u32 v6, v7  }
0x1f2: {  	v6 =	vadd.s32 v3, v6;
	_ =	sdelay $0x4  }
0x1f3: {  	[tilespmem:v6+s14+$0x0] =	vst.idx.msk $0xffff, v0  }
0x1f4: {  	v6 =	vld [tilespmem:s21+$0xFFFFFFE0];
	_ =	sdelay $0x4  }
0x1f5: {  	v7 =	vshll.u32 v6, $0x3  }
0x1f6: {  	v6 =	vand.u32 $0x7F, v6;
	v7 =	vand.u32 $0xFFFFFC00, v7  }
0x1f7: {  	v6 =	vor.u32 v6, v7  }
0x1f8: {  	v6 =	vadd.s32 v4, v6;
	_ =	sdelay $0x4  }
0x1f9: {  	[tilespmem:v6+s14+$0x0] =	vst.idx.msk $0xffff, v0  }
0x1fa: {  	v6 =	vld [tilespmem:s21+$0xFFFFFFF0];
	_ =	sdelay $0x4  }
0x1fb: {  	v7 =	vshll.u32 v6, $0x3  }
0x1fc: {  	v6 =	vand.u32 $0x7F, v6;
	v7 =	vand.u32 $0xFFFFFC00, v7  }
0x1fd: {  	v6 =	vor.u32 v6, v7  }
0x1fe: {  	v6 =	vadd.s32 v5, v6;
	_ =	sdelay $0x4  }
0x1ff: {  	[tilespmem:v6+s14+$0x0] =	vst.idx.msk $0xffff, v0  }
0x200: {  	v6 =	vld [tilespmem:s21+$0xC0];
	_ =	sdelay $0x4  }
0x201: {  	v7 =	vshll.u32 v6, $0x3  }
0x202: {  	v6 =	vand.u32 $0x7F, v6;
	v7 =	vand.u32 $0xFFFFFC00, v7  }
0x203: {  	v6 =	vor.u32 v6, v7  }
0x204: {  	v6 =	vadd.s32 v1, v6;
	_ =	sdelay $0x4  }
0x205: {  	[tilespmem:v6+s14+$0x0] =	vst.idx.msk $0xffff, v2  }
0x206: {  	v6 =	vld [tilespmem:s21+$0xD0];
	_ =	sdelay $0x4  }
0x207: {  	v7 =	vshll.u32 v6, $0x3  }
0x208: {  	v6 =	vand.u32 $0x7F, v6;
	v7 =	vand.u32 $0xFFFFFC00, v7  }
0x209: {  	v6 =	vor.u32 v6, v7  }
0x20a: {  	v6 =	vadd.s32 v3, v6;
	_ =	sdelay $0x4  }
0x20b: {  	[tilespmem:v6+s14+$0x0] =	vst.idx.msk $0xffff, v2  }
0x20c: {  	v6 =	vld [tilespmem:s21+$0xE0];
	_ =	sdelay $0x4  }
0x20d: {  	v7 =	vshll.u32 v6, $0x3  }
0x20e: {  	v6 =	vand.u32 $0x7F, v6;
	v7 =	vand.u32 $0xFFFFFC00, v7  }
0x20f: {  	v6 =	vor.u32 v6, v7  }
0x210: {  	v6 =	vadd.s32 v4, v6;
	_ =	sdelay $0x4  }
0x211: {  	[tilespmem:v6+s14+$0x0] =	vst.idx.msk $0xffff, v2  }
0x212: {  	v6 =	vld [tilespmem:s21+$0xF0];
	_ =	sdelay $0x4  }
0x213: {  	v7 =	vshll.u32 v6, $0x3  }
0x214: {  	v6 =	vand.u32 $0x7F, v6;
	v7 =	vand.u32 $0xFFFFFC00, v7  }
0x215: {  	v6 =	vor.u32 v6, v7  }
0x216: {  	v6 =	vadd.s32 v5, v6  }
0x217: {  	p0 =	sne.s32 s20, $0x3C000  }
.Ltmp8:
0x218: {  	_ = 	snop;
	(pc) =	sbr.rel @p0 .LBB2_13-.Ltmp8, $3  }
0x219: {  	_ =	sdelay $0x1  }
0x21a: {  	s20 =	sadd.s32 $0x2000, s20;
	s22 =	sadd.s32 $0x3800, s22;
	s21 =	sadd.s32 $0x100, s21;
	[tilespmem:v6+s14+$0x0] =	vst.idx.msk $0xffff, v2  }
0x21b: {  	[hbm4b:s22+s2] =	stream.linear.scatter [tilespmem:s14], [sflag:$0x4], $0x4000, $0x38;
	[tilespmem:$0x12000] =	vst v63  }
0x21c: {  	_ =	swait.ge [sflag:s15], $0x4000  }
0x21d: {  	[sflag:s15] =	ssyncset.done $0x0  }
0x21e: {  	[sflag:s15] =	ssyncadd.s32 $0xFFFFC000  }
0x21f: {  	_ =	swait.ge [sflag:s16], $0x4000  }
0x220: {  	[sflag:s16] =	ssyncset.done $0x0  }
0x221: {  	s19 =	sadd.s32 $0x1, s19;
	[sflag:s16] =	ssyncadd.s32 $0xFFFFC000  }
0x222: {  	p0 =	sne.s32 s19, s8;
	_ =	swait.ge [sflag:s17], $0x4000  }
.Ltmp9:
0x223: {  	[sflag:s17] =	ssyncset.done $0x0;
	(pc) =	sbr.rel @p0 .LBB2_1-.Ltmp9, $4  }
.Ltmp10:
0x224: {  	[sflag:s17] =	ssyncadd.s32 $0xFFFFC000;
	(pc) =	sbr.rel @!p0 .LBB2_15-.Ltmp10, $4  }
0x225: {  	_ =	swait.ge [sflag:s18], $0x4000  }
0x226: {  	[sflag:s18] =	ssyncset.done $0x0  }
0x227: {  	[sflag:s18] =	ssyncadd.s32 $0xFFFFC000  }
0x228: {  	_ = 	snop  }
.LBB2_7:
.Ltmp11:
0x229: {  	(pc) =	sbr.rel .LBB2_10-.Ltmp11, $2  }
0x22a: {  	_ =	sdelay $0x2  }
0x22b: {  	_ = 	snop  }
.LBB2_15:
0x22c: {  	_ =	sfence.sel $0x180000  }
0x22d: {  	[bflag:$0x0] =	sbarrier.arrive $0xFFFF  }
0x22e: {  	p0 =	sne.s32 s1, $0x0;
	_ =	strace $0x90000047  }
0x22f: {  	s0 =	sadd.s32 @!p0 $0x100000, s0;
	[bflag:$0x2] =	sbarrier.arrive $0xFFFF  }
0x230: {  	[sflag:s0] =	ssyncadd.tile.s32 @!p0 $0x1;
	_ =	shalt  }
.Lfunc_end2:
_tile_overlayer_lowered:
.L_overlay_start_2:
0x231: {  	(tag) =	ssettag $0x2  }
0x232: {  	s0 =	rddreg [dreg:$0x0];
	s2 =	stileid.u32  }
0x233: {  	s1 =	rddreg [dreg:$0x1];
	p0 =	sne.s32 s2, $0x0  }
0x234: {  	s3 =	rddreg [dreg:$0x2];
	[bflag:$0x3] =	sbarrier.arrive $0xFFFF;
	s2 =	simm.s32 @!p0 $0x1C06  }
0x235: {  	[timem:s3], [sflag:s2] =	dma.local @!p0 [hbm:s0], s1  }
0x236: {  	s0 =	simm.s32 @!p0 $0x6  }
0x237: {  	_ =	swait.ge @!p0 [sflag:s0], s1  }
0x238: {  	s1 =	ssub.s32 @!p0 $0x0, s1;
	[sflag:s0] =	ssyncset.done @!p0 $0x0  }
0x239: {  	[sflag:s0] =	ssyncadd.s32 @!p0 s1  }
0x23a: {  	[bflag:$0x3] =	sbarrier.arrive $0xFFFF  }
0x23b: {  	_ =	shalt  }

</sc_bundles>
